<compile_context>
chip_gen: v7x
topology: tpu7x:2x2x1
jax: 0.10.2.dev20260603
libtpu: 0.0.44.dev20260713+nightly
codegen_flags: <defaults>
</compile_context>

<pallas_src>
import functools

import jax
import jax.numpy as jnp
from jax import lax
from jax.experimental import pallas as pl
from jax.experimental.pallas import tpu as pltpu
from jax.experimental.pallas import tpu_sc as plsc

NUM_CORES = 2
NUM_SUBCORES = 16
NUM_WORKERS = NUM_CORES * NUM_SUBCORES

EMB_DIM = 32
PACK = 128 // EMB_DIM
BURST = 128
OUT_ROWS = BURST * EMB_DIM // 128


def _gather_kernel(n_bursts):
    tokens_per_w = n_bursts * BURST
    out_rows_w = n_bursts * OUT_ROWS

    mesh = plsc.VectorSubcoreMesh(core_axis_name="c", subcore_axis_name="s")

    @functools.partial(
        pl.kernel,
        mesh=mesh,
        out_type=jax.ShapeDtypeStruct(
            (NUM_WORKERS * n_bursts, OUT_ROWS, 128), jnp.float32),
        scratch_types=[
            pltpu.VMEM((n_bursts, BURST), jnp.int32),
            pltpu.VMEM((n_bursts, BURST), jnp.int32),
            pltpu.VMEM((BURST, 128), jnp.float32),
            pltpu.VMEM((BURST, 128), jnp.float32),
            pltpu.VMEM((OUT_ROWS, 128), jnp.float32),
            pltpu.VMEM((OUT_ROWS, 128), jnp.float32),
            pltpu.SemaphoreType.DMA,
            pltpu.SemaphoreType.DMA,
        ],
    )
    def body(idx_hbm, table_hbm, out_hbm, idx_v, q_v, st0, st1, ob0, ob1,
             gsem, wsem):
        wid = lax.axis_index("s") * NUM_CORES + lax.axis_index("c")
        pltpu.sync_copy(idx_hbm.at[pl.ds(wid * n_bursts, n_bursts)], idx_v)
        out_base = wid * n_bursts

        def meta_row(j, carry):
            for k in range(BURST // 16):
                q_v[j, pl.ds(k * 16, 16)] = lax.shift_right_logical(
                    idx_v[j, pl.ds(k * 16, 16)], PACK // 2)
            return carry

        lax.fori_loop(0, n_bursts, meta_row, 0)

        def gather_desc(blk, stage):
            return pltpu.make_async_copy(table_hbm.at[q_v.at[blk]], stage,
                                         gsem)

        def write_desc(blk, ob):
            return pltpu.make_async_copy(ob, out_hbm.at[out_base + blk],
                                         wsem)

        def select(blk, stage, ob):
            def sel_grp(g, carry):
                tok_vec = idx_v[blk, pl.ds(g * 16, 16)]
                for l in range(16):
                    n = g * 16 + l
                    src = (tok_vec[l] & (PACK - 1)) * EMB_DIM
                    dst = (l & (PACK - 1)) * EMB_DIM
                    orow = g * 4 + l // 4
                    for h in range(EMB_DIM // 16):
                        ob[orow, pl.ds(dst + h * 16, 16)] = (
                            stage[n, pl.ds(src + h * 16, 16)])
                return carry

            lax.fori_loop(0, BURST // 16, sel_grp, 0)

        gather_desc(0, st0).start()

        def step(i, carry):
            for b, (cur, nxt, ocur, onxt) in ((0, (st0, st1, ob0, ob1)),
                                              (1, (st1, st0, ob1, ob0))):
                blk = 2 * i + b

                @pl.when(blk >= 1)
                def _():
                    write_desc(blk - 1, onxt).wait()

                @pl.when(blk + 1 < n_bursts)
                def _():
                    gather_desc(blk + 1, nxt).start()

                gather_desc(blk, cur).wait()
                select(blk, cur, ocur)
                write_desc(blk, ocur).start()
            return carry

        lax.fori_loop(0, n_bursts // 2, step, 0)
        write_desc(n_bursts - 1, ob1).wait()

    return body


def kernel(token_ids, weight):
    orig_shape = token_ids.shape
    idx = token_ids.reshape(-1).astype(jnp.int32)
    total = idx.shape[0]
    assert total % (NUM_WORKERS * BURST) == 0
    n_bursts = total // (NUM_WORKERS * BURST)
    idx2d = idx.reshape(total // BURST, BURST)
    w128 = weight.reshape(weight.shape[0] // PACK, 128)
    out = _gather_kernel(n_bursts)(idx2d, w128)
    return out.reshape(*orig_shape, EMB_DIM)

# --- scband reference (transcript-rebuilt; emitter-appended) ---
"""Pipeline reference for scband-embedding-59141699666001 (READ-ONLY COPY).

The authoritative reference and input builder live on the scoring server;
editing this copy changes nothing except your own understanding.
"""

import jax, jax.numpy as jnp
import numpy as np

NUM_EMBEDDINGS = 1000000
EMBEDDING_DIM = 32


def setup_inputs(seed: int = 0) -> dict:
    key = jax.random.key(seed)
    k_idx, k_w = jax.random.split(key)
    token_ids = jax.random.randint(k_idx, (16384, 50), 0, NUM_EMBEDDINGS, dtype=jnp.int64 if jax.config.jax_enable_x64 else jnp.int32)
    # trunc_normal_(mean=0, std=1, a=-3, b=3)
    weight = jax.random.truncated_normal(k_w, -3.0, 3.0, (NUM_EMBEDDINGS, EMBEDDING_DIM), dtype=jnp.float32)
    return {"token_ids": token_ids, "weight": weight}


def reference(token_ids, weight):
    # self.weight[token_ids] -> gather rows of the embedding table
    return jnp.take(weight, token_ids, axis=0)

if __name__ == "__main__":
    import jax
    _d = setup_inputs()
    print(jax.jit(kernel)(*tuple(_d.values())))

</pallas_src>

<mosaic_0001>
#map = affine_map<(d0, d1) -> (0, 0)>
#map1 = affine_map<(d0, d1) -> (0, 0, 0)>
module attributes {stable_mosaic.version = 14 : i64} {
  func.func @body(%arg0: i32, %arg1: i32, %arg2: memref<6400x128xi32, #tpu.memory_space<hbm>>, %arg3: memref<250000x128xf32, #tpu.memory_space<hbm>>, %arg4: memref<6400x32x128xf32, #tpu.memory_space<hbm>>, %arg5: memref<200x128xi32, #tpu.memory_space<vmem>>, %arg6: memref<200x128xi32, #tpu.memory_space<vmem>>, %arg7: memref<128x128xf32, #tpu.memory_space<vmem>>, %arg8: memref<128x128xf32, #tpu.memory_space<vmem>>, %arg9: memref<32x128xf32, #tpu.memory_space<vmem>>, %arg10: memref<32x128xf32, #tpu.memory_space<vmem>>, %arg11: memref<!tpu.dma_semaphore, #tpu.memory_space<semaphore_mem>>, %arg12: memref<!tpu.dma_semaphore, #tpu.memory_space<semaphore_mem>>) attributes {dimension_semantics = [#tpu.dimension_semantics<core_parallel>, #tpu.dimension_semantics<subcore_parallel>], iteration_bounds = array<i64: 2, 16>, scalar_prefetch = 0 : i64, scratch_operands = 8 : i64, tpu.core_type = #tpu.core_type<sc_vector_subcore>, window_params = [{transform_indices = #map}, {transform_indices = #map}, {transform_indices = #map1}]} {
    %mul3A = arith.constant 2 : i32
    %mul3A_0 = arith.muli %arg1, %mul3A : i32
    %add3A = arith.addi %mul3A_0, %arg0 : i32
    %mul3A_1 = arith.constant 200 : i32
    %mul3A_2 = arith.muli %add3A, %mul3A_1 : i32
    "tpu.region"() ({
      %run_scoped3A = tpu.sem_alloc : memref<!tpu.dma_semaphore, #tpu.memory_space<semaphore_mem>>
      %dma_start3A_31 = arith.constant 0 : i32
      %dma_start3A_32 = tpu.memref_slice %arg2[%mul3A_2, %dma_start3A_31] : memref<6400x128xi32, #tpu.memory_space<hbm>> -> memref<200x128xi32, #tpu.memory_space<hbm>>
      %dma_start3A_33 = arith.constant 0 : i32
      %dma_start3A_34 = tpu.memref_slice %arg2[%mul3A_2, %dma_start3A_33] : memref<6400x128xi32, #tpu.memory_space<hbm>> -> memref<200x128xi32, #tpu.memory_space<hbm>>
      tpu.enqueue_dma source(%dma_start3A_34 : memref<200x128xi32, #tpu.memory_space<hbm>>) target(%arg5 : memref<200x128xi32, #tpu.memory_space<vmem>>) target_semaphore(%run_scoped3A : memref<!tpu.dma_semaphore, #tpu.memory_space<semaphore_mem>>)
      %dma_wait3A_35 = arith.constant 0 : i32
      %dma_wait3A_36 = tpu.memref_slice %arg2[%mul3A_2, %dma_wait3A_35] : memref<6400x128xi32, #tpu.memory_space<hbm>> -> memref<200x128xi32, #tpu.memory_space<hbm>>
      %dma_wait3A_37 = arith.constant 0 : i32
      %dma_wait3A_38 = tpu.memref_slice %arg2[%mul3A_2, %dma_wait3A_37] : memref<6400x128xi32, #tpu.memory_space<hbm>> -> memref<200x128xi32, #tpu.memory_space<hbm>>
      tpu.wait_dma2 semaphore(%run_scoped3A : memref<!tpu.dma_semaphore, #tpu.memory_space<semaphore_mem>>) src(%dma_wait3A_38 : memref<200x128xi32, #tpu.memory_space<hbm>>) dst(%arg5 : memref<200x128xi32, #tpu.memory_space<vmem>>)
      tpu.yield
    }) : () -> ()
    %mul3A_3 = arith.constant 200 : i32
    %mul3A_4 = arith.muli %add3A, %mul3A_3 : i32
    %scan3A = arith.constant 0 : i32
    %scan3A_5 = arith.constant 0 : i32
    %scan3A_6 = arith.constant 200 : i32
    %scan3A_7 = arith.addi %scan3A_5, %scan3A_6 : i32
    %scan3A_8 = arith.constant 1 : i32
    scf.for %scan3A_31 = %scan3A_5 to %scan3A_7 step %scan3A_8  : i32 {
      %get3A = arith.index_cast %scan3A_31 : i32 to index
      %get3A_32 = arith.constant 0 : index
      %get3A_33 = tpu.vector_load %arg5[%get3A, %get3A_32] {strides = array<i32>} : memref<200x128xi32, #tpu.memory_space<vmem>>, vector<1x16xi32>,
      %get3A_34 = vector.shape_cast %get3A_33 : vector<1x16xi32> to vector<16xi32>
      %shift_right_logical3A = arith.constant 2 : i32
      %shift_right_logical3A_35 = vector.broadcast %shift_right_logical3A : i32 to vector<16xi32>
      %shift_right_logical3A_36 = arith.shrui %get3A_34, %shift_right_logical3A_35 : vector<16xi32>
      %swap3A = arith.index_cast %scan3A_31 : i32 to index
      %swap3A_37 = arith.constant 0 : index
      %swap3A_38 = tpu.vector_load %arg6[%swap3A, %swap3A_37] {strides = array<i32>} : memref<200x128xi32, #tpu.memory_space<vmem>>, vector<1x16xi32>,
      %swap3A_39 = vector.shape_cast %swap3A_38 : vector<1x16xi32> to vector<16xi32>
      %swap3A_40 = vector.shape_cast %shift_right_logical3A_36 : vector<16xi32> to vector<1x16xi32>
      tpu.vector_store %arg6[%swap3A, %swap3A_37], %swap3A_40 {strides = array<i32>} : memref<200x128xi32, #tpu.memory_space<vmem>>, vector<1x16xi32>,
      %get3A_41 = arith.index_cast %scan3A_31 : i32 to index
      %get3A_42 = arith.constant 16 : index
      %get3A_43 = tpu.vector_load %arg5[%get3A_41, %get3A_42] {strides = array<i32>} : memref<200x128xi32, #tpu.memory_space<vmem>>, vector<1x16xi32>,
      %get3A_44 = vector.shape_cast %get3A_43 : vector<1x16xi32> to vector<16xi32>
      %shift_right_logical3A_45 = arith.constant 2 : i32
      %shift_right_logical3A_46 = vector.broadcast %shift_right_logical3A_45 : i32 to vector<16xi32>
      %shift_right_logical3A_47 = arith.shrui %get3A_44, %shift_right_logical3A_46 : vector<16xi32>
      %swap3A_48 = arith.index_cast %scan3A_31 : i32 to index
      %swap3A_49 = arith.constant 16 : index
      %swap3A_50 = tpu.vector_load %arg6[%swap3A_48, %swap3A_49] {strides = array<i32>} : memref<200x128xi32, #tpu.memory_space<vmem>>, vector<1x16xi32>,
      %swap3A_51 = vector.shape_cast %swap3A_50 : vector<1x16xi32> to vector<16xi32>
      %swap3A_52 = vector.shape_cast %shift_right_logical3A_47 : vector<16xi32> to vector<1x16xi32>
      tpu.vector_store %arg6[%swap3A_48, %swap3A_49], %swap3A_52 {strides = array<i32>} : memref<200x128xi32, #tpu.memory_space<vmem>>, vector<1x16xi32>,
      %get3A_53 = arith.index_cast %scan3A_31 : i32 to index
      %get3A_54 = arith.constant 32 : index
      %get3A_55 = tpu.vector_load %arg5[%get3A_53, %get3A_54] {strides = array<i32>} : memref<200x128xi32, #tpu.memory_space<vmem>>, vector<1x16xi32>,
      %get3A_56 = vector.shape_cast %get3A_55 : vector<1x16xi32> to vector<16xi32>
      %shift_right_logical3A_57 = arith.constant 2 : i32
      %shift_right_logical3A_58 = vector.broadcast %shift_right_logical3A_57 : i32 to vector<16xi32>
      %shift_right_logical3A_59 = arith.shrui %get3A_56, %shift_right_logical3A_58 : vector<16xi32>
      %swap3A_60 = arith.index_cast %scan3A_31 : i32 to index
      %swap3A_61 = arith.constant 32 : index
      %swap3A_62 = tpu.vector_load %arg6[%swap3A_60, %swap3A_61] {strides = array<i32>} : memref<200x128xi32, #tpu.memory_space<vmem>>, vector<1x16xi32>,
      %swap3A_63 = vector.shape_cast %swap3A_62 : vector<1x16xi32> to vector<16xi32>
      %swap3A_64 = vector.shape_cast %shift_right_logical3A_59 : vector<16xi32> to vector<1x16xi32>
      tpu.vector_store %arg6[%swap3A_60, %swap3A_61], %swap3A_64 {strides = array<i32>} : memref<200x128xi32, #tpu.memory_space<vmem>>, vector<1x16xi32>,
      %get3A_65 = arith.index_cast %scan3A_31 : i32 to index
      %get3A_66 = arith.constant 48 : index
      %get3A_67 = tpu.vector_load %arg5[%get3A_65, %get3A_66] {strides = array<i32>} : memref<200x128xi32, #tpu.memory_space<vmem>>, vector<1x16xi32>,
      %get3A_68 = vector.shape_cast %get3A_67 : vector<1x16xi32> to vector<16xi32>
      %shift_right_logical3A_69 = arith.constant 2 : i32
      %shift_right_logical3A_70 = vector.broadcast %shift_right_logical3A_69 : i32 to vector<16xi32>
      %shift_right_logical3A_71 = arith.shrui %get3A_68, %shift_right_logical3A_70 : vector<16xi32>
      %swap3A_72 = arith.index_cast %scan3A_31 : i32 to index
      %swap3A_73 = arith.constant 48 : index
      %swap3A_74 = tpu.vector_load %arg6[%swap3A_72, %swap3A_73] {strides = array<i32>} : memref<200x128xi32, #tpu.memory_space<vmem>>, vector<1x16xi32>,
      %swap3A_75 = vector.shape_cast %swap3A_74 : vector<1x16xi32> to vector<16xi32>
      %swap3A_76 = vector.shape_cast %shift_right_logical3A_71 : vector<16xi32> to vector<1x16xi32>
      tpu.vector_store %arg6[%swap3A_72, %swap3A_73], %swap3A_76 {strides = array<i32>} : memref<200x128xi32, #tpu.memory_space<vmem>>, vector<1x16xi32>,
      %get3A_77 = arith.index_cast %scan3A_31 : i32 to index
      %get3A_78 = arith.constant 64 : index
      %get3A_79 = tpu.vector_load %arg5[%get3A_77, %get3A_78] {strides = array<i32>} : memref<200x128xi32, #tpu.memory_space<vmem>>, vector<1x16xi32>,
      %get3A_80 = vector.shape_cast %get3A_79 : vector<1x16xi32> to vector<16xi32>
      %shift_right_logical3A_81 = arith.constant 2 : i32
      %shift_right_logical3A_82 = vector.broadcast %shift_right_logical3A_81 : i32 to vector<16xi32>
      %shift_right_logical3A_83 = arith.shrui %get3A_80, %shift_right_logical3A_82 : vector<16xi32>
      %swap3A_84 = arith.index_cast %scan3A_31 : i32 to index
      %swap3A_85 = arith.constant 64 : index
      %swap3A_86 = tpu.vector_load %arg6[%swap3A_84, %swap3A_85] {strides = array<i32>} : memref<200x128xi32, #tpu.memory_space<vmem>>, vector<1x16xi32>,
      %swap3A_87 = vector.shape_cast %swap3A_86 : vector<1x16xi32> to vector<16xi32>
      %swap3A_88 = vector.shape_cast %shift_right_logical3A_83 : vector<16xi32> to vector<1x16xi32>
      tpu.vector_store %arg6[%swap3A_84, %swap3A_85], %swap3A_88 {strides = array<i32>} : memref<200x128xi32, #tpu.memory_space<vmem>>, vector<1x16xi32>,
      %get3A_89 = arith.index_cast %scan3A_31 : i32 to index
      %get3A_90 = arith.constant 80 : index
      %get3A_91 = tpu.vector_load %arg5[%get3A_89, %get3A_90] {strides = array<i32>} : memref<200x128xi32, #tpu.memory_space<vmem>>, vector<1x16xi32>,
      %get3A_92 = vector.shape_cast %get3A_91 : vector<1x16xi32> to vector<16xi32>
      %shift_right_logical3A_93 = arith.constant 2 : i32
      %shift_right_logical3A_94 = vector.broadcast %shift_right_logical3A_93 : i32 to vector<16xi32>
      %shift_right_logical3A_95 = arith.shrui %get3A_92, %shift_right_logical3A_94 : vector<16xi32>
      %swap3A_96 = arith.index_cast %scan3A_31 : i32 to index
      %swap3A_97 = arith.constant 80 : index
      %swap3A_98 = tpu.vector_load %arg6[%swap3A_96, %swap3A_97] {strides = array<i32>} : memref<200x128xi32, #tpu.memory_space<vmem>>, vector<1x16xi32>,
      %swap3A_99 = vector.shape_cast %swap3A_98 : vector<1x16xi32> to vector<16xi32>
      %swap3A_100 = vector.shape_cast %shift_right_logical3A_95 : vector<16xi32> to vector<1x16xi32>
      tpu.vector_store %arg6[%swap3A_96, %swap3A_97], %swap3A_100 {strides = array<i32>} : memref<200x128xi32, #tpu.memory_space<vmem>>, vector<1x16xi32>,
      %get3A_101 = arith.index_cast %scan3A_31 : i32 to index
      %get3A_102 = arith.constant 96 : index
      %get3A_103 = tpu.vector_load %arg5[%get3A_101, %get3A_102] {strides = array<i32>} : memref<200x128xi32, #tpu.memory_space<vmem>>, vector<1x16xi32>,
      %get3A_104 = vector.shape_cast %get3A_103 : vector<1x16xi32> to vector<16xi32>
      %shift_right_logical3A_105 = arith.constant 2 : i32
      %shift_right_logical3A_106 = vector.broadcast %shift_right_logical3A_105 : i32 to vector<16xi32>
      %shift_right_logical3A_107 = arith.shrui %get3A_104, %shift_right_logical3A_106 : vector<16xi32>
      %swap3A_108 = arith.index_cast %scan3A_31 : i32 to index
      %swap3A_109 = arith.constant 96 : index
      %swap3A_110 = tpu.vector_load %arg6[%swap3A_108, %swap3A_109] {strides = array<i32>} : memref<200x128xi32, #tpu.memory_space<vmem>>, vector<1x16xi32>,
      %swap3A_111 = vector.shape_cast %swap3A_110 : vector<1x16xi32> to vector<16xi32>
      %swap3A_112 = vector.shape_cast %shift_right_logical3A_107 : vector<16xi32> to vector<1x16xi32>
      tpu.vector_store %arg6[%swap3A_108, %swap3A_109], %swap3A_112 {strides = array<i32>} : memref<200x128xi32, #tpu.memory_space<vmem>>, vector<1x16xi32>,
      %get3A_113 = arith.index_cast %scan3A_31 : i32 to index
      %get3A_114 = arith.constant 112 : index
      %get3A_115 = tpu.vector_load %arg5[%get3A_113, %get3A_114] {strides = array<i32>} : memref<200x128xi32, #tpu.memory_space<vmem>>, vector<1x16xi32>,
      %get3A_116 = vector.shape_cast %get3A_115 : vector<1x16xi32> to vector<16xi32>
      %shift_right_logical3A_117 = arith.constant 2 : i32
      %shift_right_logical3A_118 = vector.broadcast %shift_right_logical3A_117 : i32 to vector<16xi32>
      %shift_right_logical3A_119 = arith.shrui %get3A_116, %shift_right_logical3A_118 : vector<16xi32>
      %swap3A_120 = arith.index_cast %scan3A_31 : i32 to index
      %swap3A_121 = arith.constant 112 : index
      %swap3A_122 = tpu.vector_load %arg6[%swap3A_120, %swap3A_121] {strides = array<i32>} : memref<200x128xi32, #tpu.memory_space<vmem>>, vector<1x16xi32>,
      %swap3A_123 = vector.shape_cast %swap3A_122 : vector<1x16xi32> to vector<16xi32>
      %swap3A_124 = vector.shape_cast %shift_right_logical3A_119 : vector<16xi32> to vector<1x16xi32>
      tpu.vector_store %arg6[%swap3A_120, %swap3A_121], %swap3A_124 {strides = array<i32>} : memref<200x128xi32, #tpu.memory_space<vmem>>, vector<1x16xi32>,
    }
    %scan3A_9 = arith.constant 200 : i32
    %dma_start3A = arith.constant 0 : i32
    %dma_start3A_10 = arith.constant 0 : i32
    %dma_start3A_11 = tpu.memref_slice %arg6[%dma_start3A, %dma_start3A_10] : memref<200x128xi32, #tpu.memory_space<vmem>> -> memref<1x128xi32, #tpu.memory_space<vmem>>
    %dma_start3A_12 = tpu.memref_squeeze %dma_start3A_11 : memref<1x128xi32, #tpu.memory_space<vmem>> -> memref<128xi32, #tpu.memory_space<vmem>>
    %dma_start3A_13 = arith.constant 0 : i32
    %dma_start3A_14 = arith.constant 0 : i32
    %dma_start3A_15 = tpu.memref_slice %arg3[%dma_start3A_13, %dma_start3A_14] : memref<250000x128xf32, #tpu.memory_space<hbm>> -> memref<250000x128xf32, #tpu.memory_space<hbm>>
    tpu.enqueue_indirect_dma source(%dma_start3A_15 : memref<250000x128xf32, #tpu.memory_space<hbm>>) target(%arg7 : memref<128x128xf32, #tpu.memory_space<vmem>>) offsets(%dma_start3A_12 : memref<128xi32, #tpu.memory_space<vmem>>) semaphore(%arg11 : memref<!tpu.dma_semaphore, #tpu.memory_space<semaphore_mem>>)
    %scan3A_16 = arith.constant 0 : i32
    %scan3A_17 = arith.constant 0 : i32
    %scan3A_18 = arith.constant 100 : i32
    %scan3A_19 = arith.addi %scan3A_17, %scan3A_18 : i32
    %scan3A_20 = arith.constant 1 : i32
    scf.for %scan3A_31 = %scan3A_17 to %scan3A_19 step %scan3A_20  : i32 {
      %mul3A_32 = arith.constant 2 : i32
      %mul3A_33 = arith.muli %mul3A_32, %scan3A_31 : i32
      %add3A_34 = arith.constant 0 : i32
      %add3A_35 = arith.addi %mul3A_33, %add3A_34 : i32
      %ge3A = arith.constant 1 : i32
      %ge3A_36 = arith.cmpi sge, %add3A_35, %ge3A : i32
      %convert_element_type3A = arith.extui %ge3A_36 : i1 to i32
      %cond3A = arith.constant 0 : i32
      %cond3A_37 = arith.cmpi ne, %convert_element_type3A, %cond3A : i32
      scf.if %cond3A_37 {
        %sub3A = arith.constant 1 : i32
        %sub3A_102 = arith.subi %add3A_35, %sub3A : i32
        %add3A_103 = arith.addi %mul3A_4, %sub3A_102 : i32
        %dma_wait3A_104 = arith.constant 0 : i32
        %dma_wait3A_105 = arith.constant 0 : i32
        %dma_wait3A_106 = tpu.memref_slice %arg4[%add3A_103, %dma_wait3A_104, %dma_wait3A_105] : memref<6400x32x128xf32, #tpu.memory_space<hbm>> -> memref<1x32x128xf32, #tpu.memory_space<hbm>>
        %dma_wait3A_107 = tpu.memref_squeeze %dma_wait3A_106 : memref<1x32x128xf32, #tpu.memory_space<hbm>> -> memref<32x128xf32, #tpu.memory_space<hbm>>
        %dma_wait3A_108 = arith.constant 0 : i32
        %dma_wait3A_109 = arith.constant 0 : i32
        %dma_wait3A_110 = tpu.memref_slice %arg4[%add3A_103, %dma_wait3A_108, %dma_wait3A_109] : memref<6400x32x128xf32, #tpu.memory_space<hbm>> -> memref<1x32x128xf32, #tpu.memory_space<hbm>>
        %dma_wait3A_111 = tpu.memref_squeeze %dma_wait3A_110 : memref<1x32x128xf32, #tpu.memory_space<hbm>> -> memref<32x128xf32, #tpu.memory_space<hbm>>
        tpu.wait_dma2 semaphore(%arg12 : memref<!tpu.dma_semaphore, #tpu.memory_space<semaphore_mem>>) src(%arg10 : memref<32x128xf32, #tpu.memory_space<vmem>>) dst(%dma_wait3A_111 : memref<32x128xf32, #tpu.memory_space<hbm>>)
      } else {
      }
      %add3A_38 = arith.constant 1 : i32
      %add3A_39 = arith.addi %add3A_35, %add3A_38 : i32
      %lt3A = arith.constant 200 : i32
      %lt3A_40 = arith.cmpi slt, %add3A_39, %lt3A : i32
      %convert_element_type3A_41 = arith.extui %lt3A_40 : i1 to i32
      %cond3A_42 = arith.constant 0 : i32
      %cond3A_43 = arith.cmpi ne, %convert_element_type3A_41, %cond3A_42 : i32
      scf.if %cond3A_43 {
        %add3A_102 = arith.constant 1 : i32
        %add3A_103 = arith.addi %add3A_35, %add3A_102 : i32
        %dma_start3A_104 = arith.constant 0 : i32
        %dma_start3A_105 = tpu.memref_slice %arg6[%add3A_103, %dma_start3A_104] : memref<200x128xi32, #tpu.memory_space<vmem>> -> memref<1x128xi32, #tpu.memory_space<vmem>>
        %dma_start3A_106 = tpu.memref_squeeze %dma_start3A_105 : memref<1x128xi32, #tpu.memory_space<vmem>> -> memref<128xi32, #tpu.memory_space<vmem>>
        %dma_start3A_107 = arith.constant 0 : i32
        %dma_start3A_108 = arith.constant 0 : i32
        %dma_start3A_109 = tpu.memref_slice %arg3[%dma_start3A_107, %dma_start3A_108] : memref<250000x128xf32, #tpu.memory_space<hbm>> -> memref<250000x128xf32, #tpu.memory_space<hbm>>
        tpu.enqueue_indirect_dma source(%dma_start3A_109 : memref<250000x128xf32, #tpu.memory_space<hbm>>) target(%arg8 : memref<128x128xf32, #tpu.memory_space<vmem>>) offsets(%dma_start3A_106 : memref<128xi32, #tpu.memory_space<vmem>>) semaphore(%arg11 : memref<!tpu.dma_semaphore, #tpu.memory_space<semaphore_mem>>)
      } else {
      }
      %dma_wait3A_44 = arith.constant 0 : i32
      %dma_wait3A_45 = tpu.memref_slice %arg6[%add3A_35, %dma_wait3A_44] : memref<200x128xi32, #tpu.memory_space<vmem>> -> memref<1x128xi32, #tpu.memory_space<vmem>>
      %dma_wait3A_46 = tpu.memref_squeeze %dma_wait3A_45 : memref<1x128xi32, #tpu.memory_space<vmem>> -> memref<128xi32, #tpu.memory_space<vmem>>
      %dma_wait3A_47 = arith.constant 0 : i32
      %dma_wait3A_48 = arith.constant 0 : i32
      %dma_wait3A_49 = tpu.memref_slice %arg3[%dma_wait3A_47, %dma_wait3A_48] : memref<250000x128xf32, #tpu.memory_space<hbm>> -> memref<250000x128xf32, #tpu.memory_space<hbm>>
      tpu.wait_indirect_dma semaphore(%arg11 : memref<!tpu.dma_semaphore, #tpu.memory_space<semaphore_mem>>) src(%dma_wait3A_49 : memref<250000x128xf32, #tpu.memory_space<hbm>>) dst(%arg7 : memref<128x128xf32, #tpu.memory_space<vmem>>)
      %scan3A_50 = arith.constant 0 : i32
      %scan3A_51 = arith.constant 0 : i32
      %scan3A_52 = arith.constant 8 : i32
      %scan3A_53 = arith.addi %scan3A_51, %scan3A_52 : i32
      %scan3A_54 = arith.constant 1 : i32
      scf.for %scan3A_102 = %scan3A_51 to %scan3A_53 step %scan3A_54  : i32 {
        %mul3A_103 = arith.constant 16 : i32
        %mul3A_104 = arith.muli %scan3A_102, %mul3A_103 : i32
        %get3A = arith.index_cast %add3A_35 : i32 to index
        %get3A_105 = arith.index_cast %mul3A_104 : i32 to index
        %get3A_106 = tpu.vector_load %arg5[%get3A, %get3A_105] {strides = array<i32>} : memref<200x128xi32, #tpu.memory_space<vmem>>, vector<1x16xi32>,
        %get3A_107 = vector.shape_cast %get3A_106 : vector<1x16xi32> to vector<16xi32>
        %mul3A_108 = arith.constant 16 : i32
        %mul3A_109 = arith.muli %scan3A_102, %mul3A_108 : i32
        %add3A_110 = arith.constant 0 : i32
        %add3A_111 = arith.addi %mul3A_109, %add3A_110 : i32
        %slice3A = vector.extract_strided_slice %get3A_107 {offsets = [0], sizes = [1], strides = [1]} : vector<16xi32> to vector<1xi32>
        %squeeze3A = vector.extract %slice3A[0] : i32 from vector<1xi32>
        %and3A = arith.constant 3 : i32
        %and3A_112 = arith.andi %squeeze3A, %and3A : i32
        %mul3A_113 = arith.constant 32 : i32
        %mul3A_114 = arith.muli %and3A_112, %mul3A_113 : i32
        %mul3A_115 = arith.constant 4 : i32
        %mul3A_116 = arith.muli %scan3A_102, %mul3A_115 : i32
        %add3A_117 = arith.constant 0 : i32
        %add3A_118 = arith.addi %mul3A_116, %add3A_117 : i32
        %add3A_119 = arith.constant 0 : i32
        %add3A_120 = arith.addi %mul3A_114, %add3A_119 : i32
        %get3A_121 = arith.index_cast %add3A_111 : i32 to index
        %get3A_122 = arith.index_cast %add3A_120 : i32 to index
        %get3A_123 = tpu.vector_load %arg7[%get3A_121, %get3A_122] {strides = array<i32>} : memref<128x128xf32, #tpu.memory_space<vmem>>, vector<1x16xf32>,
        %get3A_124 = vector.shape_cast %get3A_123 : vector<1x16xf32> to vector<16xf32>
        %swap3A = arith.index_cast %add3A_118 : i32 to index
        %swap3A_125 = arith.constant 0 : index
        %swap3A_126 = tpu.vector_load %arg9[%swap3A, %swap3A_125] {strides = array<i32>} : memref<32x128xf32, #tpu.memory_space<vmem>>, vector<1x16xf32>,
        %swap3A_127 = vector.shape_cast %swap3A_126 : vector<1x16xf32> to vector<16xf32>
        %swap3A_128 = vector.shape_cast %get3A_124 : vector<16xf32> to vector<1x16xf32>
        tpu.vector_store %arg9[%swap3A, %swap3A_125], %swap3A_128 {strides = array<i32>} : memref<32x128xf32, #tpu.memory_space<vmem>>, vector<1x16xf32>,
        %add3A_129 = arith.constant 16 : i32
        %add3A_130 = arith.addi %mul3A_114, %add3A_129 : i32
        %get3A_131 = arith.index_cast %add3A_111 : i32 to index
        %get3A_132 = arith.index_cast %add3A_130 : i32 to index
        %get3A_133 = tpu.vector_load %arg7[%get3A_131, %get3A_132] {strides = array<i32>} : memref<128x128xf32, #tpu.memory_space<vmem>>, vector<1x16xf32>,
        %get3A_134 = vector.shape_cast %get3A_133 : vector<1x16xf32> to vector<16xf32>
        %swap3A_135 = arith.index_cast %add3A_118 : i32 to index
        %swap3A_136 = arith.constant 16 : index
        %swap3A_137 = tpu.vector_load %arg9[%swap3A_135, %swap3A_136] {strides = array<i32>} : memref<32x128xf32, #tpu.memory_space<vmem>>, vector<1x16xf32>,
        %swap3A_138 = vector.shape_cast %swap3A_137 : vector<1x16xf32> to vector<16xf32>
        %swap3A_139 = vector.shape_cast %get3A_134 : vector<16xf32> to vector<1x16xf32>
        tpu.vector_store %arg9[%swap3A_135, %swap3A_136], %swap3A_139 {strides = array<i32>} : memref<32x128xf32, #tpu.memory_space<vmem>>, vector<1x16xf32>,
        %mul3A_140 = arith.constant 16 : i32
        %mul3A_141 = arith.muli %scan3A_102, %mul3A_140 : i32
        %add3A_142 = arith.constant 1 : i32
        %add3A_143 = arith.addi %mul3A_141, %add3A_142 : i32
        %slice3A_144 = vector.extract_strided_slice %get3A_107 {offsets = [1], sizes = [1], strides = [1]} : vector<16xi32> to vector<1xi32>
        %squeeze3A_145 = vector.extract %slice3A_144[0] : i32 from vector<1xi32>
        %and3A_146 = arith.constant 3 : i32
        %and3A_147 = arith.andi %squeeze3A_145, %and3A_146 : i32
        %mul3A_148 = arith.constant 32 : i32
        %mul3A_149 = arith.muli %and3A_147, %mul3A_148 : i32
        %mul3A_150 = arith.constant 4 : i32
        %mul3A_151 = arith.muli %scan3A_102, %mul3A_150 : i32
        %add3A_152 = arith.constant 0 : i32
        %add3A_153 = arith.addi %mul3A_151, %add3A_152 : i32
        %add3A_154 = arith.constant 0 : i32
        %add3A_155 = arith.addi %mul3A_149, %add3A_154 : i32
        %get3A_156 = arith.index_cast %add3A_143 : i32 to index
        %get3A_157 = arith.index_cast %add3A_155 : i32 to index
        %get3A_158 = tpu.vector_load %arg7[%get3A_156, %get3A_157] {strides = array<i32>} : memref<128x128xf32, #tpu.memory_space<vmem>>, vector<1x16xf32>,
        %get3A_159 = vector.shape_cast %get3A_158 : vector<1x16xf32> to vector<16xf32>
        %swap3A_160 = arith.index_cast %add3A_153 : i32 to index
        %swap3A_161 = arith.constant 32 : index
        %swap3A_162 = tpu.vector_load %arg9[%swap3A_160, %swap3A_161] {strides = array<i32>} : memref<32x128xf32, #tpu.memory_space<vmem>>, vector<1x16xf32>,
        %swap3A_163 = vector.shape_cast %swap3A_162 : vector<1x16xf32> to vector<16xf32>
        %swap3A_164 = vector.shape_cast %get3A_159 : vector<16xf32> to vector<1x16xf32>
        tpu.vector_store %arg9[%swap3A_160, %swap3A_161], %swap3A_164 {strides = array<i32>} : memref<32x128xf32, #tpu.memory_space<vmem>>, vector<1x16xf32>,
        %add3A_165 = arith.constant 16 : i32
        %add3A_166 = arith.addi %mul3A_149, %add3A_165 : i32
        %get3A_167 = arith.index_cast %add3A_143 : i32 to index
        %get3A_168 = arith.index_cast %add3A_166 : i32 to index
        %get3A_169 = tpu.vector_load %arg7[%get3A_167, %get3A_168] {strides = array<i32>} : memref<128x128xf32, #tpu.memory_space<vmem>>, vector<1x16xf32>,
        %get3A_170 = vector.shape_cast %get3A_169 : vector<1x16xf32> to vector<16xf32>
        %swap3A_171 = arith.index_cast %add3A_153 : i32 to index
        %swap3A_172 = arith.constant 48 : index
        %swap3A_173 = tpu.vector_load %arg9[%swap3A_171, %swap3A_172] {strides = array<i32>} : memref<32x128xf32, #tpu.memory_space<vmem>>, vector<1x16xf32>,
        %swap3A_174 = vector.shape_cast %swap3A_173 : vector<1x16xf32> to vector<16xf32>
        %swap3A_175 = vector.shape_cast %get3A_170 : vector<16xf32> to vector<1x16xf32>
        tpu.vector_store %arg9[%swap3A_171, %swap3A_172], %swap3A_175 {strides = array<i32>} : memref<32x128xf32, #tpu.memory_space<vmem>>, vector<1x16xf32>,
        %mul3A_176 = arith.constant 16 : i32
        %mul3A_177 = arith.muli %scan3A_102, %mul3A_176 : i32
        %add3A_178 = arith.constant 2 : i32
        %add3A_179 = arith.addi %mul3A_177, %add3A_178 : i32
        %slice3A_180 = vector.extract_strided_slice %get3A_107 {offsets = [2], sizes = [1], strides = [1]} : vector<16xi32> to vector<1xi32>
        %squeeze3A_181 = vector.extract %slice3A_180[0] : i32 from vector<1xi32>
        %and3A_182 = arith.constant 3 : i32
        %and3A_183 = arith.andi %squeeze3A_181, %and3A_182 : i32
        %mul3A_184 = arith.constant 32 : i32
        %mul3A_185 = arith.muli %and3A_183, %mul3A_184 : i32
        %mul3A_186 = arith.constant 4 : i32
        %mul3A_187 = arith.muli %scan3A_102, %mul3A_186 : i32
        %add3A_188 = arith.constant 0 : i32
        %add3A_189 = arith.addi %mul3A_187, %add3A_188 : i32
        %add3A_190 = arith.constant 0 : i32
        %add3A_191 = arith.addi %mul3A_185, %add3A_190 : i32
        %get3A_192 = arith.index_cast %add3A_179 : i32 to index
        %get3A_193 = arith.index_cast %add3A_191 : i32 to index
        %get3A_194 = tpu.vector_load %arg7[%get3A_192, %get3A_193] {strides = array<i32>} : memref<128x128xf32, #tpu.memory_space<vmem>>, vector<1x16xf32>,
        %get3A_195 = vector.shape_cast %get3A_194 : vector<1x16xf32> to vector<16xf32>
        %swap3A_196 = arith.index_cast %add3A_189 : i32 to index
        %swap3A_197 = arith.constant 64 : index
        %swap3A_198 = tpu.vector_load %arg9[%swap3A_196, %swap3A_197] {strides = array<i32>} : memref<32x128xf32, #tpu.memory_space<vmem>>, vector<1x16xf32>,
        %swap3A_199 = vector.shape_cast %swap3A_198 : vector<1x16xf32> to vector<16xf32>
        %swap3A_200 = vector.shape_cast %get3A_195 : vector<16xf32> to vector<1x16xf32>
        tpu.vector_store %arg9[%swap3A_196, %swap3A_197], %swap3A_200 {strides = array<i32>} : memref<32x128xf32, #tpu.memory_space<vmem>>, vector<1x16xf32>,
        %add3A_201 = arith.constant 16 : i32
        %add3A_202 = arith.addi %mul3A_185, %add3A_201 : i32
        %get3A_203 = arith.index_cast %add3A_179 : i32 to index
        %get3A_204 = arith.index_cast %add3A_202 : i32 to index
        %get3A_205 = tpu.vector_load %arg7[%get3A_203, %get3A_204] {strides = array<i32>} : memref<128x128xf32, #tpu.memory_space<vmem>>, vector<1x16xf32>,
        %get3A_206 = vector.shape_cast %get3A_205 : vector<1x16xf32> to vector<16xf32>
        %swap3A_207 = arith.index_cast %add3A_189 : i32 to index
        %swap3A_208 = arith.constant 80 : index
        %swap3A_209 = tpu.vector_load %arg9[%swap3A_207, %swap3A_208] {strides = array<i32>} : memref<32x128xf32, #tpu.memory_space<vmem>>, vector<1x16xf32>,
        %swap3A_210 = vector.shape_cast %swap3A_209 : vector<1x16xf32> to vector<16xf32>
        %swap3A_211 = vector.shape_cast %get3A_206 : vector<16xf32> to vector<1x16xf32>
        tpu.vector_store %arg9[%swap3A_207, %swap3A_208], %swap3A_211 {strides = array<i32>} : memref<32x128xf32, #tpu.memory_space<vmem>>, vector<1x16xf32>,
        %mul3A_212 = arith.constant 16 : i32
        %mul3A_213 = arith.muli %scan3A_102, %mul3A_212 : i32
        %add3A_214 = arith.constant 3 : i32
        %add3A_215 = arith.addi %mul3A_213, %add3A_214 : i32
        %slice3A_216 = vector.extract_strided_slice %get3A_107 {offsets = [3], sizes = [1], strides = [1]} : vector<16xi32> to vector<1xi32>
        %squeeze3A_217 = vector.extract %slice3A_216[0] : i32 from vector<1xi32>
        %and3A_218 = arith.constant 3 : i32
        %and3A_219 = arith.andi %squeeze3A_217, %and3A_218 : i32
        %mul3A_220 = arith.constant 32 : i32
        %mul3A_221 = arith.muli %and3A_219, %mul3A_220 : i32
        %mul3A_222 = arith.constant 4 : i32
        %mul3A_223 = arith.muli %scan3A_102, %mul3A_222 : i32
        %add3A_224 = arith.constant 0 : i32
        %add3A_225 = arith.addi %mul3A_223, %add3A_224 : i32
        %add3A_226 = arith.constant 0 : i32
        %add3A_227 = arith.addi %mul3A_221, %add3A_226 : i32
        %get3A_228 = arith.index_cast %add3A_215 : i32 to index
        %get3A_229 = arith.index_cast %add3A_227 : i32 to index
        %get3A_230 = tpu.vector_load %arg7[%get3A_228, %get3A_229] {strides = array<i32>} : memref<128x128xf32, #tpu.memory_space<vmem>>, vector<1x16xf32>,
        %get3A_231 = vector.shape_cast %get3A_230 : vector<1x16xf32> to vector<16xf32>
        %swap3A_232 = arith.index_cast %add3A_225 : i32 to index
        %swap3A_233 = arith.constant 96 : index
        %swap3A_234 = tpu.vector_load %arg9[%swap3A_232, %swap3A_233] {strides = array<i32>} : memref<32x128xf32, #tpu.memory_space<vmem>>, vector<1x16xf32>,
        %swap3A_235 = vector.shape_cast %swap3A_234 : vector<1x16xf32> to vector<16xf32>
        %swap3A_236 = vector.shape_cast %get3A_231 : vector<16xf32> to vector<1x16xf32>
        tpu.vector_store %arg9[%swap3A_232, %swap3A_233], %swap3A_236 {strides = array<i32>} : memref<32x128xf32, #tpu.memory_space<vmem>>, vector<1x16xf32>,
        %add3A_237 = arith.constant 16 : i32
        %add3A_238 = arith.addi %mul3A_221, %add3A_237 : i32
        %get3A_239 = arith.index_cast %add3A_215 : i32 to index
        %get3A_240 = arith.index_cast %add3A_238 : i32 to index
        %get3A_241 = tpu.vector_load %arg7[%get3A_239, %get3A_240] {strides = array<i32>} : memref<128x128xf32, #tpu.memory_space<vmem>>, vector<1x16xf32>,
        %get3A_242 = vector.shape_cast %get3A_241 : vector<1x16xf32> to vector<16xf32>
        %swap3A_243 = arith.index_cast %add3A_225 : i32 to index
        %swap3A_244 = arith.constant 112 : index
        %swap3A_245 = tpu.vector_load %arg9[%swap3A_243, %swap3A_244] {strides = array<i32>} : memref<32x128xf32, #tpu.memory_space<vmem>>, vector<1x16xf32>,
        %swap3A_246 = vector.shape_cast %swap3A_245 : vector<1x16xf32> to vector<16xf32>
        %swap3A_247 = vector.shape_cast %get3A_242 : vector<16xf32> to vector<1x16xf32>
        tpu.vector_store %arg9[%swap3A_243, %swap3A_244], %swap3A_247 {strides = array<i32>} : memref<32x128xf32, #tpu.memory_space<vmem>>, vector<1x16xf32>,
        %mul3A_248 = arith.constant 16 : i32
        %mul3A_249 = arith.muli %scan3A_102, %mul3A_248 : i32
        %add3A_250 = arith.constant 4 : i32
        %add3A_251 = arith.addi %mul3A_249, %add3A_250 : i32
        %slice3A_252 = vector.extract_strided_slice %get3A_107 {offsets = [4], sizes = [1], strides = [1]} : vector<16xi32> to vector<1xi32>
        %squeeze3A_253 = vector.extract %slice3A_252[0] : i32 from vector<1xi32>
        %and3A_254 = arith.constant 3 : i32
        %and3A_255 = arith.andi %squeeze3A_253, %and3A_254 : i32
        %mul3A_256 = arith.constant 32 : i32
        %mul3A_257 = arith.muli %and3A_255, %mul3A_256 : i32
        %mul3A_258 = arith.constant 4 : i32
        %mul3A_259 = arith.muli %scan3A_102, %mul3A_258 : i32
        %add3A_260 = arith.constant 1 : i32
        %add3A_261 = arith.addi %mul3A_259, %add3A_260 : i32
        %add3A_262 = arith.constant 0 : i32
        %add3A_263 = arith.addi %mul3A_257, %add3A_262 : i32
        %get3A_264 = arith.index_cast %add3A_251 : i32 to index
        %get3A_265 = arith.index_cast %add3A_263 : i32 to index
        %get3A_266 = tpu.vector_load %arg7[%get3A_264, %get3A_265] {strides = array<i32>} : memref<128x128xf32, #tpu.memory_space<vmem>>, vector<1x16xf32>,
        %get3A_267 = vector.shape_cast %get3A_266 : vector<1x16xf32> to vector<16xf32>
        %swap3A_268 = arith.index_cast %add3A_261 : i32 to index
        %swap3A_269 = arith.constant 0 : index
        %swap3A_270 = tpu.vector_load %arg9[%swap3A_268, %swap3A_269] {strides = array<i32>} : memref<32x128xf32, #tpu.memory_space<vmem>>, vector<1x16xf32>,
        %swap3A_271 = vector.shape_cast %swap3A_270 : vector<1x16xf32> to vector<16xf32>
        %swap3A_272 = vector.shape_cast %get3A_267 : vector<16xf32> to vector<1x16xf32>
        tpu.vector_store %arg9[%swap3A_268, %swap3A_269], %swap3A_272 {strides = array<i32>} : memref<32x128xf32, #tpu.memory_space<vmem>>, vector<1x16xf32>,
        %add3A_273 = arith.constant 16 : i32
        %add3A_274 = arith.addi %mul3A_257, %add3A_273 : i32
        %get3A_275 = arith.index_cast %add3A_251 : i32 to index
        %get3A_276 = arith.index_cast %add3A_274 : i32 to index
        %get3A_277 = tpu.vector_load %arg7[%get3A_275, %get3A_276] {strides = array<i32>} : memref<128x128xf32, #tpu.memory_space<vmem>>, vector<1x16xf32>,
        %get3A_278 = vector.shape_cast %get3A_277 : vector<1x16xf32> to vector<16xf32>
        %swap3A_279 = arith.index_cast %add3A_261 : i32 to index
        %swap3A_280 = arith.constant 16 : index
        %swap3A_281 = tpu.vector_load %arg9[%swap3A_279, %swap3A_280] {strides = array<i32>} : memref<32x128xf32, #tpu.memory_space<vmem>>, vector<1x16xf32>,
        %swap3A_282 = vector.shape_cast %swap3A_281 : vector<1x16xf32> to vector<16xf32>
        %swap3A_283 = vector.shape_cast %get3A_278 : vector<16xf32> to vector<1x16xf32>
        tpu.vector_store %arg9[%swap3A_279, %swap3A_280], %swap3A_283 {strides = array<i32>} : memref<32x128xf32, #tpu.memory_space<vmem>>, vector<1x16xf32>,
        %mul3A_284 = arith.constant 16 : i32
        %mul3A_285 = arith.muli %scan3A_102, %mul3A_284 : i32
        %add3A_286 = arith.constant 5 : i32
        %add3A_287 = arith.addi %mul3A_285, %add3A_286 : i32
        %slice3A_288 = vector.extract_strided_slice %get3A_107 {offsets = [5], sizes = [1], strides = [1]} : vector<16xi32> to vector<1xi32>
        %squeeze3A_289 = vector.extract %slice3A_288[0] : i32 from vector<1xi32>
        %and3A_290 = arith.constant 3 : i32
        %and3A_291 = arith.andi %squeeze3A_289, %and3A_290 : i32
        %mul3A_292 = arith.constant 32 : i32
        %mul3A_293 = arith.muli %and3A_291, %mul3A_292 : i32
        %mul3A_294 = arith.constant 4 : i32
        %mul3A_295 = arith.muli %scan3A_102, %mul3A_294 : i32
        %add3A_296 = arith.constant 1 : i32
        %add3A_297 = arith.addi %mul3A_295, %add3A_296 : i32
        %add3A_298 = arith.constant 0 : i32
        %add3A_299 = arith.addi %mul3A_293, %add3A_298 : i32
        %get3A_300 = arith.index_cast %add3A_287 : i32 to index
        %get3A_301 = arith.index_cast %add3A_299 : i32 to index
        %get3A_302 = tpu.vector_load %arg7[%get3A_300, %get3A_301] {strides = array<i32>} : memref<128x128xf32, #tpu.memory_space<vmem>>, vector<1x16xf32>,
        %get3A_303 = vector.shape_cast %get3A_302 : vector<1x16xf32> to vector<16xf32>
        %swap3A_304 = arith.index_cast %add3A_297 : i32 to index
        %swap3A_305 = arith.constant 32 : index
        %swap3A_306 = tpu.vector_load %arg9[%swap3A_304, %swap3A_305] {strides = array<i32>} : memref<32x128xf32, #tpu.memory_space<vmem>>, vector<1x16xf32>,
        %swap3A_307 = vector.shape_cast %swap3A_306 : vector<1x16xf32> to vector<16xf32>
        %swap3A_308 = vector.shape_cast %get3A_303 : vector<16xf32> to vector<1x16xf32>
        tpu.vector_store %arg9[%swap3A_304, %swap3A_305], %swap3A_308 {strides = array<i32>} : memref<32x128xf32, #tpu.memory_space<vmem>>, vector<1x16xf32>,
        %add3A_309 = arith.constant 16 : i32
        %add3A_310 = arith.addi %mul3A_293, %add3A_309 : i32
        %get3A_311 = arith.index_cast %add3A_287 : i32 to index
        %get3A_312 = arith.index_cast %add3A_310 : i32 to index
        %get3A_313 = tpu.vector_load %arg7[%get3A_311, %get3A_312] {strides = array<i32>} : memref<128x128xf32, #tpu.memory_space<vmem>>, vector<1x16xf32>,
        %get3A_314 = vector.shape_cast %get3A_313 : vector<1x16xf32> to vector<16xf32>
        %swap3A_315 = arith.index_cast %add3A_297 : i32 to index
        %swap3A_316 = arith.constant 48 : index
        %swap3A_317 = tpu.vector_load %arg9[%swap3A_315, %swap3A_316] {strides = array<i32>} : memref<32x128xf32, #tpu.memory_space<vmem>>, vector<1x16xf32>,
        %swap3A_318 = vector.shape_cast %swap3A_317 : vector<1x16xf32> to vector<16xf32>
        %swap3A_319 = vector.shape_cast %get3A_314 : vector<16xf32> to vector<1x16xf32>
        tpu.vector_store %arg9[%swap3A_315, %swap3A_316], %swap3A_319 {strides = array<i32>} : memref<32x128xf32, #tpu.memory_space<vmem>>, vector<1x16xf32>,
        %mul3A_320 = arith.constant 16 : i32
        %mul3A_321 = arith.muli %scan3A_102, %mul3A_320 : i32
        %add3A_322 = arith.constant 6 : i32
        %add3A_323 = arith.addi %mul3A_321, %add3A_322 : i32
        %slice3A_324 = vector.extract_strided_slice %get3A_107 {offsets = [6], sizes = [1], strides = [1]} : vector<16xi32> to vector<1xi32>
        %squeeze3A_325 = vector.extract %slice3A_324[0] : i32 from vector<1xi32>
        %and3A_326 = arith.constant 3 : i32
        %and3A_327 = arith.andi %squeeze3A_325, %and3A_326 : i32
        %mul3A_328 = arith.constant 32 : i32
        %mul3A_329 = arith.muli %and3A_327, %mul3A_328 : i32
        %mul3A_330 = arith.constant 4 : i32
        %mul3A_331 = arith.muli %scan3A_102, %mul3A_330 : i32
        %add3A_332 = arith.constant 1 : i32
        %add3A_333 = arith.addi %mul3A_331, %add3A_332 : i32
        %add3A_334 = arith.constant 0 : i32
        %add3A_335 = arith.addi %mul3A_329, %add3A_334 : i32
        %get3A_336 = arith.index_cast %add3A_323 : i32 to index
        %get3A_337 = arith.index_cast %add3A_335 : i32 to index
        %get3A_338 = tpu.vector_load %arg7[%get3A_336, %get3A_337] {strides = array<i32>} : memref<128x128xf32, #tpu.memory_space<vmem>>, vector<1x16xf32>,
        %get3A_339 = vector.shape_cast %get3A_338 : vector<1x16xf32> to vector<16xf32>
        %swap3A_340 = arith.index_cast %add3A_333 : i32 to index
        %swap3A_341 = arith.constant 64 : index
        %swap3A_342 = tpu.vector_load %arg9[%swap3A_340, %swap3A_341] {strides = array<i32>} : memref<32x128xf32, #tpu.memory_space<vmem>>, vector<1x16xf32>,
        %swap3A_343 = vector.shape_cast %swap3A_342 : vector<1x16xf32> to vector<16xf32>
        %swap3A_344 = vector.shape_cast %get3A_339 : vector<16xf32> to vector<1x16xf32>
        tpu.vector_store %arg9[%swap3A_340, %swap3A_341], %swap3A_344 {strides = array<i32>} : memref<32x128xf32, #tpu.memory_space<vmem>>, vector<1x16xf32>,
        %add3A_345 = arith.constant 16 : i32
        %add3A_346 = arith.addi %mul3A_329, %add3A_345 : i32
        %get3A_347 = arith.index_cast %add3A_323 : i32 to index
        %get3A_348 = arith.index_cast %add3A_346 : i32 to index
        %get3A_349 = tpu.vector_load %arg7[%get3A_347, %get3A_348] {strides = array<i32>} : memref<128x128xf32, #tpu.memory_space<vmem>>, vector<1x16xf32>,
        %get3A_350 = vector.shape_cast %get3A_349 : vector<1x16xf32> to vector<16xf32>
        %swap3A_351 = arith.index_cast %add3A_333 : i32 to index
        %swap3A_352 = arith.constant 80 : index
        %swap3A_353 = tpu.vector_load %arg9[%swap3A_351, %swap3A_352] {strides = array<i32>} : memref<32x128xf32, #tpu.memory_space<vmem>>, vector<1x16xf32>,
        %swap3A_354 = vector.shape_cast %swap3A_353 : vector<1x16xf32> to vector<16xf32>
        %swap3A_355 = vector.shape_cast %get3A_350 : vector<16xf32> to vector<1x16xf32>
        tpu.vector_store %arg9[%swap3A_351, %swap3A_352], %swap3A_355 {strides = array<i32>} : memref<32x128xf32, #tpu.memory_space<vmem>>, vector<1x16xf32>,
        %mul3A_356 = arith.constant 16 : i32
        %mul3A_357 = arith.muli %scan3A_102, %mul3A_356 : i32
        %add3A_358 = arith.constant 7 : i32
        %add3A_359 = arith.addi %mul3A_357, %add3A_358 : i32
        %slice3A_360 = vector.extract_strided_slice %get3A_107 {offsets = [7], sizes = [1], strides = [1]} : vector<16xi32> to vector<1xi32>
        %squeeze3A_361 = vector.extract %slice3A_360[0] : i32 from vector<1xi32>
        %and3A_362 = arith.constant 3 : i32
        %and3A_363 = arith.andi %squeeze3A_361, %and3A_362 : i32
        %mul3A_364 = arith.constant 32 : i32
        %mul3A_365 = arith.muli %and3A_363, %mul3A_364 : i32
        %mul3A_366 = arith.constant 4 : i32
        %mul3A_367 = arith.muli %scan3A_102, %mul3A_366 : i32
        %add3A_368 = arith.constant 1 : i32
        %add3A_369 = arith.addi %mul3A_367, %add3A_368 : i32
        %add3A_370 = arith.constant 0 : i32
        %add3A_371 = arith.addi %mul3A_365, %add3A_370 : i32
        %get3A_372 = arith.index_cast %add3A_359 : i32 to index
        %get3A_373 = arith.index_cast %add3A_371 : i32 to index
        %get3A_374 = tpu.vector_load %arg7[%get3A_372, %get3A_373] {strides = array<i32>} : memref<128x128xf32, #tpu.memory_space<vmem>>, vector<1x16xf32>,
        %get3A_375 = vector.shape_cast %get3A_374 : vector<1x16xf32> to vector<16xf32>
        %swap3A_376 = arith.index_cast %add3A_369 : i32 to index
        %swap3A_377 = arith.constant 96 : index
        %swap3A_378 = tpu.vector_load %arg9[%swap3A_376, %swap3A_377] {strides = array<i32>} : memref<32x128xf32, #tpu.memory_space<vmem>>, vector<1x16xf32>,
        %swap3A_379 = vector.shape_cast %swap3A_378 : vector<1x16xf32> to vector<16xf32>
        %swap3A_380 = vector.shape_cast %get3A_375 : vector<16xf32> to vector<1x16xf32>
        tpu.vector_store %arg9[%swap3A_376, %swap3A_377], %swap3A_380 {strides = array<i32>} : memref<32x128xf32, #tpu.memory_space<vmem>>, vector<1x16xf32>,
        %add3A_381 = arith.constant 16 : i32
        %add3A_382 = arith.addi %mul3A_365, %add3A_381 : i32
        %get3A_383 = arith.index_cast %add3A_359 : i32 to index
        %get3A_384 = arith.index_cast %add3A_382 : i32 to index
        %get3A_385 = tpu.vector_load %arg7[%get3A_383, %get3A_384] {strides = array<i32>} : memref<128x128xf32, #tpu.memory_space<vmem>>, vector<1x16xf32>,
        %get3A_386 = vector.shape_cast %get3A_385 : vector<1x16xf32> to vector<16xf32>
        %swap3A_387 = arith.index_cast %add3A_369 : i32 to index
        %swap3A_388 = arith.constant 112 : index
        %swap3A_389 = tpu.vector_load %arg9[%swap3A_387, %swap3A_388] {strides = array<i32>} : memref<32x128xf32, #tpu.memory_space<vmem>>, vector<1x16xf32>,
        %swap3A_390 = vector.shape_cast %swap3A_389 : vector<1x16xf32> to vector<16xf32>
        %swap3A_391 = vector.shape_cast %get3A_386 : vector<16xf32> to vector<1x16xf32>
        tpu.vector_store %arg9[%swap3A_387, %swap3A_388], %swap3A_391 {strides = array<i32>} : memref<32x128xf32, #tpu.memory_space<vmem>>, vector<1x16xf32>,
        %mul3A_392 = arith.constant 16 : i32
        %mul3A_393 = arith.muli %scan3A_102, %mul3A_392 : i32
        %add3A_394 = arith.constant 8 : i32
        %add3A_395 = arith.addi %mul3A_393, %add3A_394 : i32
        %slice3A_396 = vector.extract_strided_slice %get3A_107 {offsets = [8], sizes = [1], strides = [1]} : vector<16xi32> to vector<1xi32>
        %squeeze3A_397 = vector.extract %slice3A_396[0] : i32 from vector<1xi32>
        %and3A_398 = arith.constant 3 : i32
        %and3A_399 = arith.andi %squeeze3A_397, %and3A_398 : i32
        %mul3A_400 = arith.constant 32 : i32
        %mul3A_401 = arith.muli %and3A_399, %mul3A_400 : i32
        %mul3A_402 = arith.constant 4 : i32
        %mul3A_403 = arith.muli %scan3A_102, %mul3A_402 : i32
        %add3A_404 = arith.constant 2 : i32
        %add3A_405 = arith.addi %mul3A_403, %add3A_404 : i32
        %add3A_406 = arith.constant 0 : i32
        %add3A_407 = arith.addi %mul3A_401, %add3A_406 : i32
        %get3A_408 = arith.index_cast %add3A_395 : i32 to index
        %get3A_409 = arith.index_cast %add3A_407 : i32 to index
        %get3A_410 = tpu.vector_load %arg7[%get3A_408, %get3A_409] {strides = array<i32>} : memref<128x128xf32, #tpu.memory_space<vmem>>, vector<1x16xf32>,
        %get3A_411 = vector.shape_cast %get3A_410 : vector<1x16xf32> to vector<16xf32>
        %swap3A_412 = arith.index_cast %add3A_405 : i32 to index
        %swap3A_413 = arith.constant 0 : index
        %swap3A_414 = tpu.vector_load %arg9[%swap3A_412, %swap3A_413] {strides = array<i32>} : memref<32x128xf32, #tpu.memory_space<vmem>>, vector<1x16xf32>,
        %swap3A_415 = vector.shape_cast %swap3A_414 : vector<1x16xf32> to vector<16xf32>
        %swap3A_416 = vector.shape_cast %get3A_411 : vector<16xf32> to vector<1x16xf32>
        tpu.vector_store %arg9[%swap3A_412, %swap3A_413], %swap3A_416 {strides = array<i32>} : memref<32x128xf32, #tpu.memory_space<vmem>>, vector<1x16xf32>,
        %add3A_417 = arith.constant 16 : i32
        %add3A_418 = arith.addi %mul3A_401, %add3A_417 : i32
        %get3A_419 = arith.index_cast %add3A_395 : i32 to index
        %get3A_420 = arith.index_cast %add3A_418 : i32 to index
        %get3A_421 = tpu.vector_load %arg7[%get3A_419, %get3A_420] {strides = array<i32>} : memref<128x128xf32, #tpu.memory_space<vmem>>, vector<1x16xf32>,
        %get3A_422 = vector.shape_cast %get3A_421 : vector<1x16xf32> to vector<16xf32>
        %swap3A_423 = arith.index_cast %add3A_405 : i32 to index
        %swap3A_424 = arith.constant 16 : index
        %swap3A_425 = tpu.vector_load %arg9[%swap3A_423, %swap3A_424] {strides = array<i32>} : memref<32x128xf32, #tpu.memory_space<vmem>>, vector<1x16xf32>,
        %swap3A_426 = vector.shape_cast %swap3A_425 : vector<1x16xf32> to vector<16xf32>
        %swap3A_427 = vector.shape_cast %get3A_422 : vector<16xf32> to vector<1x16xf32>
        tpu.vector_store %arg9[%swap3A_423, %swap3A_424], %swap3A_427 {strides = array<i32>} : memref<32x128xf32, #tpu.memory_space<vmem>>, vector<1x16xf32>,
        %mul3A_428 = arith.constant 16 : i32
        %mul3A_429 = arith.muli %scan3A_102, %mul3A_428 : i32
        %add3A_430 = arith.constant 9 : i32
        %add3A_431 = arith.addi %mul3A_429, %add3A_430 : i32
        %slice3A_432 = vector.extract_strided_slice %get3A_107 {offsets = [9], sizes = [1], strides = [1]} : vector<16xi32> to vector<1xi32>
        %squeeze3A_433 = vector.extract %slice3A_432[0] : i32 from vector<1xi32>
        %and3A_434 = arith.constant 3 : i32
        %and3A_435 = arith.andi %squeeze3A_433, %and3A_434 : i32
        %mul3A_436 = arith.constant 32 : i32
        %mul3A_437 = arith.muli %and3A_435, %mul3A_436 : i32
        %mul3A_438 = arith.constant 4 : i32
        %mul3A_439 = arith.muli %scan3A_102, %mul3A_438 : i32
        %add3A_440 = arith.constant 2 : i32
        %add3A_441 = arith.addi %mul3A_439, %add3A_440 : i32
        %add3A_442 = arith.constant 0 : i32
        %add3A_443 = arith.addi %mul3A_437, %add3A_442 : i32
        %get3A_444 = arith.index_cast %add3A_431 : i32 to index
        %get3A_445 = arith.index_cast %add3A_443 : i32 to index
        %get3A_446 = tpu.vector_load %arg7[%get3A_444, %get3A_445] {strides = array<i32>} : memref<128x128xf32, #tpu.memory_space<vmem>>, vector<1x16xf32>,
        %get3A_447 = vector.shape_cast %get3A_446 : vector<1x16xf32> to vector<16xf32>
        %swap3A_448 = arith.index_cast %add3A_441 : i32 to index
        %swap3A_449 = arith.constant 32 : index
        %swap3A_450 = tpu.vector_load %arg9[%swap3A_448, %swap3A_449] {strides = array<i32>} : memref<32x128xf32, #tpu.memory_space<vmem>>, vector<1x16xf32>,
        %swap3A_451 = vector.shape_cast %swap3A_450 : vector<1x16xf32> to vector<16xf32>
        %swap3A_452 = vector.shape_cast %get3A_447 : vector<16xf32> to vector<1x16xf32>
        tpu.vector_store %arg9[%swap3A_448, %swap3A_449], %swap3A_452 {strides = array<i32>} : memref<32x128xf32, #tpu.memory_space<vmem>>, vector<1x16xf32>,
        %add3A_453 = arith.constant 16 : i32
        %add3A_454 = arith.addi %mul3A_437, %add3A_453 : i32
        %get3A_455 = arith.index_cast %add3A_431 : i32 to index
        %get3A_456 = arith.index_cast %add3A_454 : i32 to index
        %get3A_457 = tpu.vector_load %arg7[%get3A_455, %get3A_456] {strides = array<i32>} : memref<128x128xf32, #tpu.memory_space<vmem>>, vector<1x16xf32>,
        %get3A_458 = vector.shape_cast %get3A_457 : vector<1x16xf32> to vector<16xf32>
        %swap3A_459 = arith.index_cast %add3A_441 : i32 to index
        %swap3A_460 = arith.constant 48 : index
        %swap3A_461 = tpu.vector_load %arg9[%swap3A_459, %swap3A_460] {strides = array<i32>} : memref<32x128xf32, #tpu.memory_space<vmem>>, vector<1x16xf32>,
        %swap3A_462 = vector.shape_cast %swap3A_461 : vector<1x16xf32> to vector<16xf32>
        %swap3A_463 = vector.shape_cast %get3A_458 : vector<16xf32> to vector<1x16xf32>
        tpu.vector_store %arg9[%swap3A_459, %swap3A_460], %swap3A_463 {strides = array<i32>} : memref<32x128xf32, #tpu.memory_space<vmem>>, vector<1x16xf32>,
        %mul3A_464 = arith.constant 16 : i32
        %mul3A_465 = arith.muli %scan3A_102, %mul3A_464 : i32
        %add3A_466 = arith.constant 10 : i32
        %add3A_467 = arith.addi %mul3A_465, %add3A_466 : i32
        %slice3A_468 = vector.extract_strided_slice %get3A_107 {offsets = [10], sizes = [1], strides = [1]} : vector<16xi32> to vector<1xi32>
        %squeeze3A_469 = vector.extract %slice3A_468[0] : i32 from vector<1xi32>
        %and3A_470 = arith.constant 3 : i32
        %and3A_471 = arith.andi %squeeze3A_469, %and3A_470 : i32
        %mul3A_472 = arith.constant 32 : i32
        %mul3A_473 = arith.muli %and3A_471, %mul3A_472 : i32
        %mul3A_474 = arith.constant 4 : i32
        %mul3A_475 = arith.muli %scan3A_102, %mul3A_474 : i32
        %add3A_476 = arith.constant 2 : i32
        %add3A_477 = arith.addi %mul3A_475, %add3A_476 : i32
        %add3A_478 = arith.constant 0 : i32
        %add3A_479 = arith.addi %mul3A_473, %add3A_478 : i32
        %get3A_480 = arith.index_cast %add3A_467 : i32 to index
        %get3A_481 = arith.index_cast %add3A_479 : i32 to index
        %get3A_482 = tpu.vector_load %arg7[%get3A_480, %get3A_481] {strides = array<i32>} : memref<128x128xf32, #tpu.memory_space<vmem>>, vector<1x16xf32>,
        %get3A_483 = vector.shape_cast %get3A_482 : vector<1x16xf32> to vector<16xf32>
        %swap3A_484 = arith.index_cast %add3A_477 : i32 to index
        %swap3A_485 = arith.constant 64 : index
        %swap3A_486 = tpu.vector_load %arg9[%swap3A_484, %swap3A_485] {strides = array<i32>} : memref<32x128xf32, #tpu.memory_space<vmem>>, vector<1x16xf32>,
        %swap3A_487 = vector.shape_cast %swap3A_486 : vector<1x16xf32> to vector<16xf32>
        %swap3A_488 = vector.shape_cast %get3A_483 : vector<16xf32> to vector<1x16xf32>
        tpu.vector_store %arg9[%swap3A_484, %swap3A_485], %swap3A_488 {strides = array<i32>} : memref<32x128xf32, #tpu.memory_space<vmem>>, vector<1x16xf32>,
        %add3A_489 = arith.constant 16 : i32
        %add3A_490 = arith.addi %mul3A_473, %add3A_489 : i32
        %get3A_491 = arith.index_cast %add3A_467 : i32 to index
        %get3A_492 = arith.index_cast %add3A_490 : i32 to index
        %get3A_493 = tpu.vector_load %arg7[%get3A_491, %get3A_492] {strides = array<i32>} : memref<128x128xf32, #tpu.memory_space<vmem>>, vector<1x16xf32>,
        %get3A_494 = vector.shape_cast %get3A_493 : vector<1x16xf32> to vector<16xf32>
        %swap3A_495 = arith.index_cast %add3A_477 : i32 to index
        %swap3A_496 = arith.constant 80 : index
        %swap3A_497 = tpu.vector_load %arg9[%swap3A_495, %swap3A_496] {strides = array<i32>} : memref<32x128xf32, #tpu.memory_space<vmem>>, vector<1x16xf32>,
        %swap3A_498 = vector.shape_cast %swap3A_497 : vector<1x16xf32> to vector<16xf32>
        %swap3A_499 = vector.shape_cast %get3A_494 : vector<16xf32> to vector<1x16xf32>
        tpu.vector_store %arg9[%swap3A_495, %swap3A_496], %swap3A_499 {strides = array<i32>} : memref<32x128xf32, #tpu.memory_space<vmem>>, vector<1x16xf32>,
        %mul3A_500 = arith.constant 16 : i32
        %mul3A_501 = arith.muli %scan3A_102, %mul3A_500 : i32
        %add3A_502 = arith.constant 11 : i32
        %add3A_503 = arith.addi %mul3A_501, %add3A_502 : i32
        %slice3A_504 = vector.extract_strided_slice %get3A_107 {offsets = [11], sizes = [1], strides = [1]} : vector<16xi32> to vector<1xi32>
        %squeeze3A_505 = vector.extract %slice3A_504[0] : i32 from vector<1xi32>
        %and3A_506 = arith.constant 3 : i32
        %and3A_507 = arith.andi %squeeze3A_505, %and3A_506 : i32
        %mul3A_508 = arith.constant 32 : i32
        %mul3A_509 = arith.muli %and3A_507, %mul3A_508 : i32
        %mul3A_510 = arith.constant 4 : i32
        %mul3A_511 = arith.muli %scan3A_102, %mul3A_510 : i32
        %add3A_512 = arith.constant 2 : i32
        %add3A_513 = arith.addi %mul3A_511, %add3A_512 : i32
        %add3A_514 = arith.constant 0 : i32
        %add3A_515 = arith.addi %mul3A_509, %add3A_514 : i32
        %get3A_516 = arith.index_cast %add3A_503 : i32 to index
        %get3A_517 = arith.index_cast %add3A_515 : i32 to index
        %get3A_518 = tpu.vector_load %arg7[%get3A_516, %get3A_517] {strides = array<i32>} : memref<128x128xf32, #tpu.memory_space<vmem>>, vector<1x16xf32>,
        %get3A_519 = vector.shape_cast %get3A_518 : vector<1x16xf32> to vector<16xf32>
        %swap3A_520 = arith.index_cast %add3A_513 : i32 to index
        %swap3A_521 = arith.constant 96 : index
        %swap3A_522 = tpu.vector_load %arg9[%swap3A_520, %swap3A_521] {strides = array<i32>} : memref<32x128xf32, #tpu.memory_space<vmem>>, vector<1x16xf32>,
        %swap3A_523 = vector.shape_cast %swap3A_522 : vector<1x16xf32> to vector<16xf32>
        %swap3A_524 = vector.shape_cast %get3A_519 : vector<16xf32> to vector<1x16xf32>
        tpu.vector_store %arg9[%swap3A_520, %swap3A_521], %swap3A_524 {strides = array<i32>} : memref<32x128xf32, #tpu.memory_space<vmem>>, vector<1x16xf32>,
        %add3A_525 = arith.constant 16 : i32
        %add3A_526 = arith.addi %mul3A_509, %add3A_525 : i32
        %get3A_527 = arith.index_cast %add3A_503 : i32 to index
        %get3A_528 = arith.index_cast %add3A_526 : i32 to index
        %get3A_529 = tpu.vector_load %arg7[%get3A_527, %get3A_528] {strides = array<i32>} : memref<128x128xf32, #tpu.memory_space<vmem>>, vector<1x16xf32>,
        %get3A_530 = vector.shape_cast %get3A_529 : vector<1x16xf32> to vector<16xf32>
        %swap3A_531 = arith.index_cast %add3A_513 : i32 to index
        %swap3A_532 = arith.constant 112 : index
        %swap3A_533 = tpu.vector_load %arg9[%swap3A_531, %swap3A_532] {strides = array<i32>} : memref<32x128xf32, #tpu.memory_space<vmem>>, vector<1x16xf32>,
        %swap3A_534 = vector.shape_cast %swap3A_533 : vector<1x16xf32> to vector<16xf32>
        %swap3A_535 = vector.shape_cast %get3A_530 : vector<16xf32> to vector<1x16xf32>
        tpu.vector_store %arg9[%swap3A_531, %swap3A_532], %swap3A_535 {strides = array<i32>} : memref<32x128xf32, #tpu.memory_space<vmem>>, vector<1x16xf32>,
        %mul3A_536 = arith.constant 16 : i32
        %mul3A_537 = arith.muli %scan3A_102, %mul3A_536 : i32
        %add3A_538 = arith.constant 12 : i32
        %add3A_539 = arith.addi %mul3A_537, %add3A_538 : i32
        %slice3A_540 = vector.extract_strided_slice %get3A_107 {offsets = [12], sizes = [1], strides = [1]} : vector<16xi32> to vector<1xi32>
        %squeeze3A_541 = vector.extract %slice3A_540[0] : i32 from vector<1xi32>
        %and3A_542 = arith.constant 3 : i32
        %and3A_543 = arith.andi %squeeze3A_541, %and3A_542 : i32
        %mul3A_544 = arith.constant 32 : i32
        %mul3A_545 = arith.muli %and3A_543, %mul3A_544 : i32
        %mul3A_546 = arith.constant 4 : i32
        %mul3A_547 = arith.muli %scan3A_102, %mul3A_546 : i32
        %add3A_548 = arith.constant 3 : i32
        %add3A_549 = arith.addi %mul3A_547, %add3A_548 : i32
        %add3A_550 = arith.constant 0 : i32
        %add3A_551 = arith.addi %mul3A_545, %add3A_550 : i32
        %get3A_552 = arith.index_cast %add3A_539 : i32 to index
        %get3A_553 = arith.index_cast %add3A_551 : i32 to index
        %get3A_554 = tpu.vector_load %arg7[%get3A_552, %get3A_553] {strides = array<i32>} : memref<128x128xf32, #tpu.memory_space<vmem>>, vector<1x16xf32>,
        %get3A_555 = vector.shape_cast %get3A_554 : vector<1x16xf32> to vector<16xf32>
        %swap3A_556 = arith.index_cast %add3A_549 : i32 to index
        %swap3A_557 = arith.constant 0 : index
        %swap3A_558 = tpu.vector_load %arg9[%swap3A_556, %swap3A_557] {strides = array<i32>} : memref<32x128xf32, #tpu.memory_space<vmem>>, vector<1x16xf32>,
        %swap3A_559 = vector.shape_cast %swap3A_558 : vector<1x16xf32> to vector<16xf32>
        %swap3A_560 = vector.shape_cast %get3A_555 : vector<16xf32> to vector<1x16xf32>
        tpu.vector_store %arg9[%swap3A_556, %swap3A_557], %swap3A_560 {strides = array<i32>} : memref<32x128xf32, #tpu.memory_space<vmem>>, vector<1x16xf32>,
        %add3A_561 = arith.constant 16 : i32
        %add3A_562 = arith.addi %mul3A_545, %add3A_561 : i32
        %get3A_563 = arith.index_cast %add3A_539 : i32 to index
        %get3A_564 = arith.index_cast %add3A_562 : i32 to index
        %get3A_565 = tpu.vector_load %arg7[%get3A_563, %get3A_564] {strides = array<i32>} : memref<128x128xf32, #tpu.memory_space<vmem>>, vector<1x16xf32>,
        %get3A_566 = vector.shape_cast %get3A_565 : vector<1x16xf32> to vector<16xf32>
        %swap3A_567 = arith.index_cast %add3A_549 : i32 to index
        %swap3A_568 = arith.constant 16 : index
        %swap3A_569 = tpu.vector_load %arg9[%swap3A_567, %swap3A_568] {strides = array<i32>} : memref<32x128xf32, #tpu.memory_space<vmem>>, vector<1x16xf32>,
        %swap3A_570 = vector.shape_cast %swap3A_569 : vector<1x16xf32> to vector<16xf32>
        %swap3A_571 = vector.shape_cast %get3A_566 : vector<16xf32> to vector<1x16xf32>
        tpu.vector_store %arg9[%swap3A_567, %swap3A_568], %swap3A_571 {strides = array<i32>} : memref<32x128xf32, #tpu.memory_space<vmem>>, vector<1x16xf32>,
        %mul3A_572 = arith.constant 16 : i32
        %mul3A_573 = arith.muli %scan3A_102, %mul3A_572 : i32
        %add3A_574 = arith.constant 13 : i32
        %add3A_575 = arith.addi %mul3A_573, %add3A_574 : i32
        %slice3A_576 = vector.extract_strided_slice %get3A_107 {offsets = [13], sizes = [1], strides = [1]} : vector<16xi32> to vector<1xi32>
        %squeeze3A_577 = vector.extract %slice3A_576[0] : i32 from vector<1xi32>
        %and3A_578 = arith.constant 3 : i32
        %and3A_579 = arith.andi %squeeze3A_577, %and3A_578 : i32
        %mul3A_580 = arith.constant 32 : i32
        %mul3A_581 = arith.muli %and3A_579, %mul3A_580 : i32
        %mul3A_582 = arith.constant 4 : i32
        %mul3A_583 = arith.muli %scan3A_102, %mul3A_582 : i32
        %add3A_584 = arith.constant 3 : i32
        %add3A_585 = arith.addi %mul3A_583, %add3A_584 : i32
        %add3A_586 = arith.constant 0 : i32
        %add3A_587 = arith.addi %mul3A_581, %add3A_586 : i32
        %get3A_588 = arith.index_cast %add3A_575 : i32 to index
        %get3A_589 = arith.index_cast %add3A_587 : i32 to index
        %get3A_590 = tpu.vector_load %arg7[%get3A_588, %get3A_589] {strides = array<i32>} : memref<128x128xf32, #tpu.memory_space<vmem>>, vector<1x16xf32>,
        %get3A_591 = vector.shape_cast %get3A_590 : vector<1x16xf32> to vector<16xf32>
        %swap3A_592 = arith.index_cast %add3A_585 : i32 to index
        %swap3A_593 = arith.constant 32 : index
        %swap3A_594 = tpu.vector_load %arg9[%swap3A_592, %swap3A_593] {strides = array<i32>} : memref<32x128xf32, #tpu.memory_space<vmem>>, vector<1x16xf32>,
        %swap3A_595 = vector.shape_cast %swap3A_594 : vector<1x16xf32> to vector<16xf32>
        %swap3A_596 = vector.shape_cast %get3A_591 : vector<16xf32> to vector<1x16xf32>
        tpu.vector_store %arg9[%swap3A_592, %swap3A_593], %swap3A_596 {strides = array<i32>} : memref<32x128xf32, #tpu.memory_space<vmem>>, vector<1x16xf32>,
        %add3A_597 = arith.constant 16 : i32
        %add3A_598 = arith.addi %mul3A_581, %add3A_597 : i32
        %get3A_599 = arith.index_cast %add3A_575 : i32 to index
        %get3A_600 = arith.index_cast %add3A_598 : i32 to index
        %get3A_601 = tpu.vector_load %arg7[%get3A_599, %get3A_600] {strides = array<i32>} : memref<128x128xf32, #tpu.memory_space<vmem>>, vector<1x16xf32>,
        %get3A_602 = vector.shape_cast %get3A_601 : vector<1x16xf32> to vector<16xf32>
        %swap3A_603 = arith.index_cast %add3A_585 : i32 to index
        %swap3A_604 = arith.constant 48 : index
        %swap3A_605 = tpu.vector_load %arg9[%swap3A_603, %swap3A_604] {strides = array<i32>} : memref<32x128xf32, #tpu.memory_space<vmem>>, vector<1x16xf32>,
        %swap3A_606 = vector.shape_cast %swap3A_605 : vector<1x16xf32> to vector<16xf32>
        %swap3A_607 = vector.shape_cast %get3A_602 : vector<16xf32> to vector<1x16xf32>
        tpu.vector_store %arg9[%swap3A_603, %swap3A_604], %swap3A_607 {strides = array<i32>} : memref<32x128xf32, #tpu.memory_space<vmem>>, vector<1x16xf32>,
        %mul3A_608 = arith.constant 16 : i32
        %mul3A_609 = arith.muli %scan3A_102, %mul3A_608 : i32
        %add3A_610 = arith.constant 14 : i32
        %add3A_611 = arith.addi %mul3A_609, %add3A_610 : i32
        %slice3A_612 = vector.extract_strided_slice %get3A_107 {offsets = [14], sizes = [1], strides = [1]} : vector<16xi32> to vector<1xi32>
        %squeeze3A_613 = vector.extract %slice3A_612[0] : i32 from vector<1xi32>
        %and3A_614 = arith.constant 3 : i32
        %and3A_615 = arith.andi %squeeze3A_613, %and3A_614 : i32
        %mul3A_616 = arith.constant 32 : i32
        %mul3A_617 = arith.muli %and3A_615, %mul3A_616 : i32
        %mul3A_618 = arith.constant 4 : i32
        %mul3A_619 = arith.muli %scan3A_102, %mul3A_618 : i32
        %add3A_620 = arith.constant 3 : i32
        %add3A_621 = arith.addi %mul3A_619, %add3A_620 : i32
        %add3A_622 = arith.constant 0 : i32
        %add3A_623 = arith.addi %mul3A_617, %add3A_622 : i32
        %get3A_624 = arith.index_cast %add3A_611 : i32 to index
        %get3A_625 = arith.index_cast %add3A_623 : i32 to index
        %get3A_626 = tpu.vector_load %arg7[%get3A_624, %get3A_625] {strides = array<i32>} : memref<128x128xf32, #tpu.memory_space<vmem>>, vector<1x16xf32>,
        %get3A_627 = vector.shape_cast %get3A_626 : vector<1x16xf32> to vector<16xf32>
        %swap3A_628 = arith.index_cast %add3A_621 : i32 to index
        %swap3A_629 = arith.constant 64 : index
        %swap3A_630 = tpu.vector_load %arg9[%swap3A_628, %swap3A_629] {strides = array<i32>} : memref<32x128xf32, #tpu.memory_space<vmem>>, vector<1x16xf32>,
        %swap3A_631 = vector.shape_cast %swap3A_630 : vector<1x16xf32> to vector<16xf32>
        %swap3A_632 = vector.shape_cast %get3A_627 : vector<16xf32> to vector<1x16xf32>
        tpu.vector_store %arg9[%swap3A_628, %swap3A_629], %swap3A_632 {strides = array<i32>} : memref<32x128xf32, #tpu.memory_space<vmem>>, vector<1x16xf32>,
        %add3A_633 = arith.constant 16 : i32
        %add3A_634 = arith.addi %mul3A_617, %add3A_633 : i32
        %get3A_635 = arith.index_cast %add3A_611 : i32 to index
        %get3A_636 = arith.index_cast %add3A_634 : i32 to index
        %get3A_637 = tpu.vector_load %arg7[%get3A_635, %get3A_636] {strides = array<i32>} : memref<128x128xf32, #tpu.memory_space<vmem>>, vector<1x16xf32>,
        %get3A_638 = vector.shape_cast %get3A_637 : vector<1x16xf32> to vector<16xf32>
        %swap3A_639 = arith.index_cast %add3A_621 : i32 to index
        %swap3A_640 = arith.constant 80 : index
        %swap3A_641 = tpu.vector_load %arg9[%swap3A_639, %swap3A_640] {strides = array<i32>} : memref<32x128xf32, #tpu.memory_space<vmem>>, vector<1x16xf32>,
        %swap3A_642 = vector.shape_cast %swap3A_641 : vector<1x16xf32> to vector<16xf32>
        %swap3A_643 = vector.shape_cast %get3A_638 : vector<16xf32> to vector<1x16xf32>
        tpu.vector_store %arg9[%swap3A_639, %swap3A_640], %swap3A_643 {strides = array<i32>} : memref<32x128xf32, #tpu.memory_space<vmem>>, vector<1x16xf32>,
        %mul3A_644 = arith.constant 16 : i32
        %mul3A_645 = arith.muli %scan3A_102, %mul3A_644 : i32
        %add3A_646 = arith.constant 15 : i32
        %add3A_647 = arith.addi %mul3A_645, %add3A_646 : i32
        %slice3A_648 = vector.extract_strided_slice %get3A_107 {offsets = [15], sizes = [1], strides = [1]} : vector<16xi32> to vector<1xi32>
        %squeeze3A_649 = vector.extract %slice3A_648[0] : i32 from vector<1xi32>
        %and3A_650 = arith.constant 3 : i32
        %and3A_651 = arith.andi %squeeze3A_649, %and3A_650 : i32
        %mul3A_652 = arith.constant 32 : i32
        %mul3A_653 = arith.muli %and3A_651, %mul3A_652 : i32
        %mul3A_654 = arith.constant 4 : i32
        %mul3A_655 = arith.muli %scan3A_102, %mul3A_654 : i32
        %add3A_656 = arith.constant 3 : i32
        %add3A_657 = arith.addi %mul3A_655, %add3A_656 : i32
        %add3A_658 = arith.constant 0 : i32
        %add3A_659 = arith.addi %mul3A_653, %add3A_658 : i32
        %get3A_660 = arith.index_cast %add3A_647 : i32 to index
        %get3A_661 = arith.index_cast %add3A_659 : i32 to index
        %get3A_662 = tpu.vector_load %arg7[%get3A_660, %get3A_661] {strides = array<i32>} : memref<128x128xf32, #tpu.memory_space<vmem>>, vector<1x16xf32>,
        %get3A_663 = vector.shape_cast %get3A_662 : vector<1x16xf32> to vector<16xf32>
        %swap3A_664 = arith.index_cast %add3A_657 : i32 to index
        %swap3A_665 = arith.constant 96 : index
        %swap3A_666 = tpu.vector_load %arg9[%swap3A_664, %swap3A_665] {strides = array<i32>} : memref<32x128xf32, #tpu.memory_space<vmem>>, vector<1x16xf32>,
        %swap3A_667 = vector.shape_cast %swap3A_666 : vector<1x16xf32> to vector<16xf32>
        %swap3A_668 = vector.shape_cast %get3A_663 : vector<16xf32> to vector<1x16xf32>
        tpu.vector_store %arg9[%swap3A_664, %swap3A_665], %swap3A_668 {strides = array<i32>} : memref<32x128xf32, #tpu.memory_space<vmem>>, vector<1x16xf32>,
        %add3A_669 = arith.constant 16 : i32
        %add3A_670 = arith.addi %mul3A_653, %add3A_669 : i32
        %get3A_671 = arith.index_cast %add3A_647 : i32 to index
        %get3A_672 = arith.index_cast %add3A_670 : i32 to index
        %get3A_673 = tpu.vector_load %arg7[%get3A_671, %get3A_672] {strides = array<i32>} : memref<128x128xf32, #tpu.memory_space<vmem>>, vector<1x16xf32>,
        %get3A_674 = vector.shape_cast %get3A_673 : vector<1x16xf32> to vector<16xf32>
        %swap3A_675 = arith.index_cast %add3A_657 : i32 to index
        %swap3A_676 = arith.constant 112 : index
        %swap3A_677 = tpu.vector_load %arg9[%swap3A_675, %swap3A_676] {strides = array<i32>} : memref<32x128xf32, #tpu.memory_space<vmem>>, vector<1x16xf32>,
        %swap3A_678 = vector.shape_cast %swap3A_677 : vector<1x16xf32> to vector<16xf32>
        %swap3A_679 = vector.shape_cast %get3A_674 : vector<16xf32> to vector<1x16xf32>
        tpu.vector_store %arg9[%swap3A_675, %swap3A_676], %swap3A_679 {strides = array<i32>} : memref<32x128xf32, #tpu.memory_space<vmem>>, vector<1x16xf32>,
      }
      %scan3A_55 = arith.constant 8 : i32
      %add3A_56 = arith.addi %mul3A_4, %add3A_35 : i32
      %dma_start3A_57 = arith.constant 0 : i32
      %dma_start3A_58 = arith.constant 0 : i32
      %dma_start3A_59 = tpu.memref_slice %arg4[%add3A_56, %dma_start3A_57, %dma_start3A_58] : memref<6400x32x128xf32, #tpu.memory_space<hbm>> -> memref<1x32x128xf32, #tpu.memory_space<hbm>>
      %dma_start3A_60 = tpu.memref_squeeze %dma_start3A_59 : memref<1x32x128xf32, #tpu.memory_space<hbm>> -> memref<32x128xf32, #tpu.memory_space<hbm>>
      %dma_start3A_61 = arith.constant 0 : i32
      %dma_start3A_62 = arith.constant 0 : i32
      %dma_start3A_63 = tpu.memref_slice %arg4[%add3A_56, %dma_start3A_61, %dma_start3A_62] : memref<6400x32x128xf32, #tpu.memory_space<hbm>> -> memref<1x32x128xf32, #tpu.memory_space<hbm>>
      %dma_start3A_64 = tpu.memref_squeeze %dma_start3A_63 : memref<1x32x128xf32, #tpu.memory_space<hbm>> -> memref<32x128xf32, #tpu.memory_space<hbm>>
      tpu.enqueue_dma source(%arg9 : memref<32x128xf32, #tpu.memory_space<vmem>>) target(%dma_start3A_64 : memref<32x128xf32, #tpu.memory_space<hbm>>) target_semaphore(%arg12 : memref<!tpu.dma_semaphore, #tpu.memory_space<semaphore_mem>>)
      %mul3A_65 = arith.constant 2 : i32
      %mul3A_66 = arith.muli %mul3A_65, %scan3A_31 : i32
      %add3A_67 = arith.constant 1 : i32
      %add3A_68 = arith.addi %mul3A_66, %add3A_67 : i32
      %ge3A_69 = arith.constant 1 : i32
      %ge3A_70 = arith.cmpi sge, %add3A_68, %ge3A_69 : i32
      %convert_element_type3A_71 = arith.extui %ge3A_70 : i1 to i32
      %cond3A_72 = arith.constant 0 : i32
      %cond3A_73 = arith.cmpi ne, %convert_element_type3A_71, %cond3A_72 : i32
      scf.if %cond3A_73 {
        %sub3A = arith.constant 1 : i32
        %sub3A_102 = arith.subi %add3A_68, %sub3A : i32
        %add3A_103 = arith.addi %mul3A_4, %sub3A_102 : i32
        %dma_wait3A_104 = arith.constant 0 : i32
        %dma_wait3A_105 = arith.constant 0 : i32
        %dma_wait3A_106 = tpu.memref_slice %arg4[%add3A_103, %dma_wait3A_104, %dma_wait3A_105] : memref<6400x32x128xf32, #tpu.memory_space<hbm>> -> memref<1x32x128xf32, #tpu.memory_space<hbm>>
        %dma_wait3A_107 = tpu.memref_squeeze %dma_wait3A_106 : memref<1x32x128xf32, #tpu.memory_space<hbm>> -> memref<32x128xf32, #tpu.memory_space<hbm>>
        %dma_wait3A_108 = arith.constant 0 : i32
        %dma_wait3A_109 = arith.constant 0 : i32
        %dma_wait3A_110 = tpu.memref_slice %arg4[%add3A_103, %dma_wait3A_108, %dma_wait3A_109] : memref<6400x32x128xf32, #tpu.memory_space<hbm>> -> memref<1x32x128xf32, #tpu.memory_space<hbm>>
        %dma_wait3A_111 = tpu.memref_squeeze %dma_wait3A_110 : memref<1x32x128xf32, #tpu.memory_space<hbm>> -> memref<32x128xf32, #tpu.memory_space<hbm>>
        tpu.wait_dma2 semaphore(%arg12 : memref<!tpu.dma_semaphore, #tpu.memory_space<semaphore_mem>>) src(%arg9 : memref<32x128xf32, #tpu.memory_space<vmem>>) dst(%dma_wait3A_111 : memref<32x128xf32, #tpu.memory_space<hbm>>)
      } else {
      }
      %add3A_74 = arith.constant 1 : i32
      %add3A_75 = arith.addi %add3A_68, %add3A_74 : i32
      %lt3A_76 = arith.constant 200 : i32
      %lt3A_77 = arith.cmpi slt, %add3A_75, %lt3A_76 : i32
      %convert_element_type3A_78 = arith.extui %lt3A_77 : i1 to i32
      %cond3A_79 = arith.constant 0 : i32
      %cond3A_80 = arith.cmpi ne, %convert_element_type3A_78, %cond3A_79 : i32
      scf.if %cond3A_80 {
        %add3A_102 = arith.constant 1 : i32
        %add3A_103 = arith.addi %add3A_68, %add3A_102 : i32
        %dma_start3A_104 = arith.constant 0 : i32
        %dma_start3A_105 = tpu.memref_slice %arg6[%add3A_103, %dma_start3A_104] : memref<200x128xi32, #tpu.memory_space<vmem>> -> memref<1x128xi32, #tpu.memory_space<vmem>>
        %dma_start3A_106 = tpu.memref_squeeze %dma_start3A_105 : memref<1x128xi32, #tpu.memory_space<vmem>> -> memref<128xi32, #tpu.memory_space<vmem>>
        %dma_start3A_107 = arith.constant 0 : i32
        %dma_start3A_108 = arith.constant 0 : i32
        %dma_start3A_109 = tpu.memref_slice %arg3[%dma_start3A_107, %dma_start3A_108] : memref<250000x128xf32, #tpu.memory_space<hbm>> -> memref<250000x128xf32, #tpu.memory_space<hbm>>
        tpu.enqueue_indirect_dma source(%dma_start3A_109 : memref<250000x128xf32, #tpu.memory_space<hbm>>) target(%arg7 : memref<128x128xf32, #tpu.memory_space<vmem>>) offsets(%dma_start3A_106 : memref<128xi32, #tpu.memory_space<vmem>>) semaphore(%arg11 : memref<!tpu.dma_semaphore, #tpu.memory_space<semaphore_mem>>)
      } else {
      }
      %dma_wait3A_81 = arith.constant 0 : i32
      %dma_wait3A_82 = tpu.memref_slice %arg6[%add3A_68, %dma_wait3A_81] : memref<200x128xi32, #tpu.memory_space<vmem>> -> memref<1x128xi32, #tpu.memory_space<vmem>>
      %dma_wait3A_83 = tpu.memref_squeeze %dma_wait3A_82 : memref<1x128xi32, #tpu.memory_space<vmem>> -> memref<128xi32, #tpu.memory_space<vmem>>
      %dma_wait3A_84 = arith.constant 0 : i32
      %dma_wait3A_85 = arith.constant 0 : i32
      %dma_wait3A_86 = tpu.memref_slice %arg3[%dma_wait3A_84, %dma_wait3A_85] : memref<250000x128xf32, #tpu.memory_space<hbm>> -> memref<250000x128xf32, #tpu.memory_space<hbm>>
      tpu.wait_indirect_dma semaphore(%arg11 : memref<!tpu.dma_semaphore, #tpu.memory_space<semaphore_mem>>) src(%dma_wait3A_86 : memref<250000x128xf32, #tpu.memory_space<hbm>>) dst(%arg8 : memref<128x128xf32, #tpu.memory_space<vmem>>)
      %scan3A_87 = arith.constant 0 : i32
      %scan3A_88 = arith.constant 0 : i32
      %scan3A_89 = arith.constant 8 : i32
      %scan3A_90 = arith.addi %scan3A_88, %scan3A_89 : i32
      %scan3A_91 = arith.constant 1 : i32
      scf.for %scan3A_102 = %scan3A_88 to %scan3A_90 step %scan3A_91  : i32 {
        %mul3A_103 = arith.constant 16 : i32
        %mul3A_104 = arith.muli %scan3A_102, %mul3A_103 : i32
        %get3A = arith.index_cast %add3A_68 : i32 to index
        %get3A_105 = arith.index_cast %mul3A_104 : i32 to index
        %get3A_106 = tpu.vector_load %arg5[%get3A, %get3A_105] {strides = array<i32>} : memref<200x128xi32, #tpu.memory_space<vmem>>, vector<1x16xi32>,
        %get3A_107 = vector.shape_cast %get3A_106 : vector<1x16xi32> to vector<16xi32>
        %mul3A_108 = arith.constant 16 : i32
        %mul3A_109 = arith.muli %scan3A_102, %mul3A_108 : i32
        %add3A_110 = arith.constant 0 : i32
        %add3A_111 = arith.addi %mul3A_109, %add3A_110 : i32
        %slice3A = vector.extract_strided_slice %get3A_107 {offsets = [0], sizes = [1], strides = [1]} : vector<16xi32> to vector<1xi32>
        %squeeze3A = vector.extract %slice3A[0] : i32 from vector<1xi32>
        %and3A = arith.constant 3 : i32
        %and3A_112 = arith.andi %squeeze3A, %and3A : i32
        %mul3A_113 = arith.constant 32 : i32
        %mul3A_114 = arith.muli %and3A_112, %mul3A_113 : i32
        %mul3A_115 = arith.constant 4 : i32
        %mul3A_116 = arith.muli %scan3A_102, %mul3A_115 : i32
        %add3A_117 = arith.constant 0 : i32
        %add3A_118 = arith.addi %mul3A_116, %add3A_117 : i32
        %add3A_119 = arith.constant 0 : i32
        %add3A_120 = arith.addi %mul3A_114, %add3A_119 : i32
        %get3A_121 = arith.index_cast %add3A_111 : i32 to index
        %get3A_122 = arith.index_cast %add3A_120 : i32 to index
        %get3A_123 = tpu.vector_load %arg8[%get3A_121, %get3A_122] {strides = array<i32>} : memref<128x128xf32, #tpu.memory_space<vmem>>, vector<1x16xf32>,
        %get3A_124 = vector.shape_cast %get3A_123 : vector<1x16xf32> to vector<16xf32>
        %swap3A = arith.index_cast %add3A_118 : i32 to index
        %swap3A_125 = arith.constant 0 : index
        %swap3A_126 = tpu.vector_load %arg10[%swap3A, %swap3A_125] {strides = array<i32>} : memref<32x128xf32, #tpu.memory_space<vmem>>, vector<1x16xf32>,
        %swap3A_127 = vector.shape_cast %swap3A_126 : vector<1x16xf32> to vector<16xf32>
        %swap3A_128 = vector.shape_cast %get3A_124 : vector<16xf32> to vector<1x16xf32>
        tpu.vector_store %arg10[%swap3A, %swap3A_125], %swap3A_128 {strides = array<i32>} : memref<32x128xf32, #tpu.memory_space<vmem>>, vector<1x16xf32>,
        %add3A_129 = arith.constant 16 : i32
        %add3A_130 = arith.addi %mul3A_114, %add3A_129 : i32
        %get3A_131 = arith.index_cast %add3A_111 : i32 to index
        %get3A_132 = arith.index_cast %add3A_130 : i32 to index
        %get3A_133 = tpu.vector_load %arg8[%get3A_131, %get3A_132] {strides = array<i32>} : memref<128x128xf32, #tpu.memory_space<vmem>>, vector<1x16xf32>,
        %get3A_134 = vector.shape_cast %get3A_133 : vector<1x16xf32> to vector<16xf32>
        %swap3A_135 = arith.index_cast %add3A_118 : i32 to index
        %swap3A_136 = arith.constant 16 : index
        %swap3A_137 = tpu.vector_load %arg10[%swap3A_135, %swap3A_136] {strides = array<i32>} : memref<32x128xf32, #tpu.memory_space<vmem>>, vector<1x16xf32>,
        %swap3A_138 = vector.shape_cast %swap3A_137 : vector<1x16xf32> to vector<16xf32>
        %swap3A_139 = vector.shape_cast %get3A_134 : vector<16xf32> to vector<1x16xf32>
        tpu.vector_store %arg10[%swap3A_135, %swap3A_136], %swap3A_139 {strides = array<i32>} : memref<32x128xf32, #tpu.memory_space<vmem>>, vector<1x16xf32>,
        %mul3A_140 = arith.constant 16 : i32
        %mul3A_141 = arith.muli %scan3A_102, %mul3A_140 : i32
        %add3A_142 = arith.constant 1 : i32
        %add3A_143 = arith.addi %mul3A_141, %add3A_142 : i32
        %slice3A_144 = vector.extract_strided_slice %get3A_107 {offsets = [1], sizes = [1], strides = [1]} : vector<16xi32> to vector<1xi32>
        %squeeze3A_145 = vector.extract %slice3A_144[0] : i32 from vector<1xi32>
        %and3A_146 = arith.constant 3 : i32
        %and3A_147 = arith.andi %squeeze3A_145, %and3A_146 : i32
        %mul3A_148 = arith.constant 32 : i32
        %mul3A_149 = arith.muli %and3A_147, %mul3A_148 : i32
        %mul3A_150 = arith.constant 4 : i32
        %mul3A_151 = arith.muli %scan3A_102, %mul3A_150 : i32
        %add3A_152 = arith.constant 0 : i32
        %add3A_153 = arith.addi %mul3A_151, %add3A_152 : i32
        %add3A_154 = arith.constant 0 : i32
        %add3A_155 = arith.addi %mul3A_149, %add3A_154 : i32
        %get3A_156 = arith.index_cast %add3A_143 : i32 to index
        %get3A_157 = arith.index_cast %add3A_155 : i32 to index
        %get3A_158 = tpu.vector_load %arg8[%get3A_156, %get3A_157] {strides = array<i32>} : memref<128x128xf32, #tpu.memory_space<vmem>>, vector<1x16xf32>,
        %get3A_159 = vector.shape_cast %get3A_158 : vector<1x16xf32> to vector<16xf32>
        %swap3A_160 = arith.index_cast %add3A_153 : i32 to index
        %swap3A_161 = arith.constant 32 : index
        %swap3A_162 = tpu.vector_load %arg10[%swap3A_160, %swap3A_161] {strides = array<i32>} : memref<32x128xf32, #tpu.memory_space<vmem>>, vector<1x16xf32>,
        %swap3A_163 = vector.shape_cast %swap3A_162 : vector<1x16xf32> to vector<16xf32>
        %swap3A_164 = vector.shape_cast %get3A_159 : vector<16xf32> to vector<1x16xf32>
        tpu.vector_store %arg10[%swap3A_160, %swap3A_161], %swap3A_164 {strides = array<i32>} : memref<32x128xf32, #tpu.memory_space<vmem>>, vector<1x16xf32>,
        %add3A_165 = arith.constant 16 : i32
        %add3A_166 = arith.addi %mul3A_149, %add3A_165 : i32
        %get3A_167 = arith.index_cast %add3A_143 : i32 to index
        %get3A_168 = arith.index_cast %add3A_166 : i32 to index
        %get3A_169 = tpu.vector_load %arg8[%get3A_167, %get3A_168] {strides = array<i32>} : memref<128x128xf32, #tpu.memory_space<vmem>>, vector<1x16xf32>,
        %get3A_170 = vector.shape_cast %get3A_169 : vector<1x16xf32> to vector<16xf32>
        %swap3A_171 = arith.index_cast %add3A_153 : i32 to index
        %swap3A_172 = arith.constant 48 : index
        %swap3A_173 = tpu.vector_load %arg10[%swap3A_171, %swap3A_172] {strides = array<i32>} : memref<32x128xf32, #tpu.memory_space<vmem>>, vector<1x16xf32>,
        %swap3A_174 = vector.shape_cast %swap3A_173 : vector<1x16xf32> to vector<16xf32>
        %swap3A_175 = vector.shape_cast %get3A_170 : vector<16xf32> to vector<1x16xf32>
        tpu.vector_store %arg10[%swap3A_171, %swap3A_172], %swap3A_175 {strides = array<i32>} : memref<32x128xf32, #tpu.memory_space<vmem>>, vector<1x16xf32>,
        %mul3A_176 = arith.constant 16 : i32
        %mul3A_177 = arith.muli %scan3A_102, %mul3A_176 : i32
        %add3A_178 = arith.constant 2 : i32
        %add3A_179 = arith.addi %mul3A_177, %add3A_178 : i32
        %slice3A_180 = vector.extract_strided_slice %get3A_107 {offsets = [2], sizes = [1], strides = [1]} : vector<16xi32> to vector<1xi32>
        %squeeze3A_181 = vector.extract %slice3A_180[0] : i32 from vector<1xi32>
        %and3A_182 = arith.constant 3 : i32
        %and3A_183 = arith.andi %squeeze3A_181, %and3A_182 : i32
        %mul3A_184 = arith.constant 32 : i32
        %mul3A_185 = arith.muli %and3A_183, %mul3A_184 : i32
        %mul3A_186 = arith.constant 4 : i32
        %mul3A_187 = arith.muli %scan3A_102, %mul3A_186 : i32
        %add3A_188 = arith.constant 0 : i32
        %add3A_189 = arith.addi %mul3A_187, %add3A_188 : i32
        %add3A_190 = arith.constant 0 : i32
        %add3A_191 = arith.addi %mul3A_185, %add3A_190 : i32
        %get3A_192 = arith.index_cast %add3A_179 : i32 to index
        %get3A_193 = arith.index_cast %add3A_191 : i32 to index
        %get3A_194 = tpu.vector_load %arg8[%get3A_192, %get3A_193] {strides = array<i32>} : memref<128x128xf32, #tpu.memory_space<vmem>>, vector<1x16xf32>,
        %get3A_195 = vector.shape_cast %get3A_194 : vector<1x16xf32> to vector<16xf32>
        %swap3A_196 = arith.index_cast %add3A_189 : i32 to index
        %swap3A_197 = arith.constant 64 : index
        %swap3A_198 = tpu.vector_load %arg10[%swap3A_196, %swap3A_197] {strides = array<i32>} : memref<32x128xf32, #tpu.memory_space<vmem>>, vector<1x16xf32>,
        %swap3A_199 = vector.shape_cast %swap3A_198 : vector<1x16xf32> to vector<16xf32>
        %swap3A_200 = vector.shape_cast %get3A_195 : vector<16xf32> to vector<1x16xf32>
        tpu.vector_store %arg10[%swap3A_196, %swap3A_197], %swap3A_200 {strides = array<i32>} : memref<32x128xf32, #tpu.memory_space<vmem>>, vector<1x16xf32>,
        %add3A_201 = arith.constant 16 : i32
        %add3A_202 = arith.addi %mul3A_185, %add3A_201 : i32
        %get3A_203 = arith.index_cast %add3A_179 : i32 to index
        %get3A_204 = arith.index_cast %add3A_202 : i32 to index
        %get3A_205 = tpu.vector_load %arg8[%get3A_203, %get3A_204] {strides = array<i32>} : memref<128x128xf32, #tpu.memory_space<vmem>>, vector<1x16xf32>,
        %get3A_206 = vector.shape_cast %get3A_205 : vector<1x16xf32> to vector<16xf32>
        %swap3A_207 = arith.index_cast %add3A_189 : i32 to index
        %swap3A_208 = arith.constant 80 : index
        %swap3A_209 = tpu.vector_load %arg10[%swap3A_207, %swap3A_208] {strides = array<i32>} : memref<32x128xf32, #tpu.memory_space<vmem>>, vector<1x16xf32>,
        %swap3A_210 = vector.shape_cast %swap3A_209 : vector<1x16xf32> to vector<16xf32>
        %swap3A_211 = vector.shape_cast %get3A_206 : vector<16xf32> to vector<1x16xf32>
        tpu.vector_store %arg10[%swap3A_207, %swap3A_208], %swap3A_211 {strides = array<i32>} : memref<32x128xf32, #tpu.memory_space<vmem>>, vector<1x16xf32>,
        %mul3A_212 = arith.constant 16 : i32
        %mul3A_213 = arith.muli %scan3A_102, %mul3A_212 : i32
        %add3A_214 = arith.constant 3 : i32
        %add3A_215 = arith.addi %mul3A_213, %add3A_214 : i32
        %slice3A_216 = vector.extract_strided_slice %get3A_107 {offsets = [3], sizes = [1], strides = [1]} : vector<16xi32> to vector<1xi32>
        %squeeze3A_217 = vector.extract %slice3A_216[0] : i32 from vector<1xi32>
        %and3A_218 = arith.constant 3 : i32
        %and3A_219 = arith.andi %squeeze3A_217, %and3A_218 : i32
        %mul3A_220 = arith.constant 32 : i32
        %mul3A_221 = arith.muli %and3A_219, %mul3A_220 : i32
        %mul3A_222 = arith.constant 4 : i32
        %mul3A_223 = arith.muli %scan3A_102, %mul3A_222 : i32
        %add3A_224 = arith.constant 0 : i32
        %add3A_225 = arith.addi %mul3A_223, %add3A_224 : i32
        %add3A_226 = arith.constant 0 : i32
        %add3A_227 = arith.addi %mul3A_221, %add3A_226 : i32
        %get3A_228 = arith.index_cast %add3A_215 : i32 to index
        %get3A_229 = arith.index_cast %add3A_227 : i32 to index
        %get3A_230 = tpu.vector_load %arg8[%get3A_228, %get3A_229] {strides = array<i32>} : memref<128x128xf32, #tpu.memory_space<vmem>>, vector<1x16xf32>,
        %get3A_231 = vector.shape_cast %get3A_230 : vector<1x16xf32> to vector<16xf32>
        %swap3A_232 = arith.index_cast %add3A_225 : i32 to index
        %swap3A_233 = arith.constant 96 : index
        %swap3A_234 = tpu.vector_load %arg10[%swap3A_232, %swap3A_233] {strides = array<i32>} : memref<32x128xf32, #tpu.memory_space<vmem>>, vector<1x16xf32>,
        %swap3A_235 = vector.shape_cast %swap3A_234 : vector<1x16xf32> to vector<16xf32>
        %swap3A_236 = vector.shape_cast %get3A_231 : vector<16xf32> to vector<1x16xf32>
        tpu.vector_store %arg10[%swap3A_232, %swap3A_233], %swap3A_236 {strides = array<i32>} : memref<32x128xf32, #tpu.memory_space<vmem>>, vector<1x16xf32>,
        %add3A_237 = arith.constant 16 : i32
        %add3A_238 = arith.addi %mul3A_221, %add3A_237 : i32
        %get3A_239 = arith.index_cast %add3A_215 : i32 to index
        %get3A_240 = arith.index_cast %add3A_238 : i32 to index
        %get3A_241 = tpu.vector_load %arg8[%get3A_239, %get3A_240] {strides = array<i32>} : memref<128x128xf32, #tpu.memory_space<vmem>>, vector<1x16xf32>,
        %get3A_242 = vector.shape_cast %get3A_241 : vector<1x16xf32> to vector<16xf32>
        %swap3A_243 = arith.index_cast %add3A_225 : i32 to index
        %swap3A_244 = arith.constant 112 : index
        %swap3A_245 = tpu.vector_load %arg10[%swap3A_243, %swap3A_244] {strides = array<i32>} : memref<32x128xf32, #tpu.memory_space<vmem>>, vector<1x16xf32>,
        %swap3A_246 = vector.shape_cast %swap3A_245 : vector<1x16xf32> to vector<16xf32>
        %swap3A_247 = vector.shape_cast %get3A_242 : vector<16xf32> to vector<1x16xf32>
        tpu.vector_store %arg10[%swap3A_243, %swap3A_244], %swap3A_247 {strides = array<i32>} : memref<32x128xf32, #tpu.memory_space<vmem>>, vector<1x16xf32>,
        %mul3A_248 = arith.constant 16 : i32
        %mul3A_249 = arith.muli %scan3A_102, %mul3A_248 : i32
        %add3A_250 = arith.constant 4 : i32
        %add3A_251 = arith.addi %mul3A_249, %add3A_250 : i32
        %slice3A_252 = vector.extract_strided_slice %get3A_107 {offsets = [4], sizes = [1], strides = [1]} : vector<16xi32> to vector<1xi32>
        %squeeze3A_253 = vector.extract %slice3A_252[0] : i32 from vector<1xi32>
        %and3A_254 = arith.constant 3 : i32
        %and3A_255 = arith.andi %squeeze3A_253, %and3A_254 : i32
        %mul3A_256 = arith.constant 32 : i32
        %mul3A_257 = arith.muli %and3A_255, %mul3A_256 : i32
        %mul3A_258 = arith.constant 4 : i32
        %mul3A_259 = arith.muli %scan3A_102, %mul3A_258 : i32
        %add3A_260 = arith.constant 1 : i32
        %add3A_261 = arith.addi %mul3A_259, %add3A_260 : i32
        %add3A_262 = arith.constant 0 : i32
        %add3A_263 = arith.addi %mul3A_257, %add3A_262 : i32
        %get3A_264 = arith.index_cast %add3A_251 : i32 to index
        %get3A_265 = arith.index_cast %add3A_263 : i32 to index
        %get3A_266 = tpu.vector_load %arg8[%get3A_264, %get3A_265] {strides = array<i32>} : memref<128x128xf32, #tpu.memory_space<vmem>>, vector<1x16xf32>,
        %get3A_267 = vector.shape_cast %get3A_266 : vector<1x16xf32> to vector<16xf32>
        %swap3A_268 = arith.index_cast %add3A_261 : i32 to index
        %swap3A_269 = arith.constant 0 : index
        %swap3A_270 = tpu.vector_load %arg10[%swap3A_268, %swap3A_269] {strides = array<i32>} : memref<32x128xf32, #tpu.memory_space<vmem>>, vector<1x16xf32>,
        %swap3A_271 = vector.shape_cast %swap3A_270 : vector<1x16xf32> to vector<16xf32>
        %swap3A_272 = vector.shape_cast %get3A_267 : vector<16xf32> to vector<1x16xf32>
        tpu.vector_store %arg10[%swap3A_268, %swap3A_269], %swap3A_272 {strides = array<i32>} : memref<32x128xf32, #tpu.memory_space<vmem>>, vector<1x16xf32>,
        %add3A_273 = arith.constant 16 : i32
        %add3A_274 = arith.addi %mul3A_257, %add3A_273 : i32
        %get3A_275 = arith.index_cast %add3A_251 : i32 to index
        %get3A_276 = arith.index_cast %add3A_274 : i32 to index
        %get3A_277 = tpu.vector_load %arg8[%get3A_275, %get3A_276] {strides = array<i32>} : memref<128x128xf32, #tpu.memory_space<vmem>>, vector<1x16xf32>,
        %get3A_278 = vector.shape_cast %get3A_277 : vector<1x16xf32> to vector<16xf32>
        %swap3A_279 = arith.index_cast %add3A_261 : i32 to index
        %swap3A_280 = arith.constant 16 : index
        %swap3A_281 = tpu.vector_load %arg10[%swap3A_279, %swap3A_280] {strides = array<i32>} : memref<32x128xf32, #tpu.memory_space<vmem>>, vector<1x16xf32>,
        %swap3A_282 = vector.shape_cast %swap3A_281 : vector<1x16xf32> to vector<16xf32>
        %swap3A_283 = vector.shape_cast %get3A_278 : vector<16xf32> to vector<1x16xf32>
        tpu.vector_store %arg10[%swap3A_279, %swap3A_280], %swap3A_283 {strides = array<i32>} : memref<32x128xf32, #tpu.memory_space<vmem>>, vector<1x16xf32>,
        %mul3A_284 = arith.constant 16 : i32
        %mul3A_285 = arith.muli %scan3A_102, %mul3A_284 : i32
        %add3A_286 = arith.constant 5 : i32
        %add3A_287 = arith.addi %mul3A_285, %add3A_286 : i32
        %slice3A_288 = vector.extract_strided_slice %get3A_107 {offsets = [5], sizes = [1], strides = [1]} : vector<16xi32> to vector<1xi32>
        %squeeze3A_289 = vector.extract %slice3A_288[0] : i32 from vector<1xi32>
        %and3A_290 = arith.constant 3 : i32
        %and3A_291 = arith.andi %squeeze3A_289, %and3A_290 : i32
        %mul3A_292 = arith.constant 32 : i32
        %mul3A_293 = arith.muli %and3A_291, %mul3A_292 : i32
        %mul3A_294 = arith.constant 4 : i32
        %mul3A_295 = arith.muli %scan3A_102, %mul3A_294 : i32
        %add3A_296 = arith.constant 1 : i32
        %add3A_297 = arith.addi %mul3A_295, %add3A_296 : i32
        %add3A_298 = arith.constant 0 : i32
        %add3A_299 = arith.addi %mul3A_293, %add3A_298 : i32
        %get3A_300 = arith.index_cast %add3A_287 : i32 to index
        %get3A_301 = arith.index_cast %add3A_299 : i32 to index
        %get3A_302 = tpu.vector_load %arg8[%get3A_300, %get3A_301] {strides = array<i32>} : memref<128x128xf32, #tpu.memory_space<vmem>>, vector<1x16xf32>,
        %get3A_303 = vector.shape_cast %get3A_302 : vector<1x16xf32> to vector<16xf32>
        %swap3A_304 = arith.index_cast %add3A_297 : i32 to index
        %swap3A_305 = arith.constant 32 : index
        %swap3A_306 = tpu.vector_load %arg10[%swap3A_304, %swap3A_305] {strides = array<i32>} : memref<32x128xf32, #tpu.memory_space<vmem>>, vector<1x16xf32>,
        %swap3A_307 = vector.shape_cast %swap3A_306 : vector<1x16xf32> to vector<16xf32>
        %swap3A_308 = vector.shape_cast %get3A_303 : vector<16xf32> to vector<1x16xf32>
        tpu.vector_store %arg10[%swap3A_304, %swap3A_305], %swap3A_308 {strides = array<i32>} : memref<32x128xf32, #tpu.memory_space<vmem>>, vector<1x16xf32>,
        %add3A_309 = arith.constant 16 : i32
        %add3A_310 = arith.addi %mul3A_293, %add3A_309 : i32
        %get3A_311 = arith.index_cast %add3A_287 : i32 to index
        %get3A_312 = arith.index_cast %add3A_310 : i32 to index
        %get3A_313 = tpu.vector_load %arg8[%get3A_311, %get3A_312] {strides = array<i32>} : memref<128x128xf32, #tpu.memory_space<vmem>>, vector<1x16xf32>,
        %get3A_314 = vector.shape_cast %get3A_313 : vector<1x16xf32> to vector<16xf32>
        %swap3A_315 = arith.index_cast %add3A_297 : i32 to index
        %swap3A_316 = arith.constant 48 : index
        %swap3A_317 = tpu.vector_load %arg10[%swap3A_315, %swap3A_316] {strides = array<i32>} : memref<32x128xf32, #tpu.memory_space<vmem>>, vector<1x16xf32>,
        %swap3A_318 = vector.shape_cast %swap3A_317 : vector<1x16xf32> to vector<16xf32>
        %swap3A_319 = vector.shape_cast %get3A_314 : vector<16xf32> to vector<1x16xf32>
        tpu.vector_store %arg10[%swap3A_315, %swap3A_316], %swap3A_319 {strides = array<i32>} : memref<32x128xf32, #tpu.memory_space<vmem>>, vector<1x16xf32>,
        %mul3A_320 = arith.constant 16 : i32
        %mul3A_321 = arith.muli %scan3A_102, %mul3A_320 : i32
        %add3A_322 = arith.constant 6 : i32
        %add3A_323 = arith.addi %mul3A_321, %add3A_322 : i32
        %slice3A_324 = vector.extract_strided_slice %get3A_107 {offsets = [6], sizes = [1], strides = [1]} : vector<16xi32> to vector<1xi32>
        %squeeze3A_325 = vector.extract %slice3A_324[0] : i32 from vector<1xi32>
        %and3A_326 = arith.constant 3 : i32
        %and3A_327 = arith.andi %squeeze3A_325, %and3A_326 : i32
        %mul3A_328 = arith.constant 32 : i32
        %mul3A_329 = arith.muli %and3A_327, %mul3A_328 : i32
        %mul3A_330 = arith.constant 4 : i32
        %mul3A_331 = arith.muli %scan3A_102, %mul3A_330 : i32
        %add3A_332 = arith.constant 1 : i32
        %add3A_333 = arith.addi %mul3A_331, %add3A_332 : i32
        %add3A_334 = arith.constant 0 : i32
        %add3A_335 = arith.addi %mul3A_329, %add3A_334 : i32
        %get3A_336 = arith.index_cast %add3A_323 : i32 to index
        %get3A_337 = arith.index_cast %add3A_335 : i32 to index
        %get3A_338 = tpu.vector_load %arg8[%get3A_336, %get3A_337] {strides = array<i32>} : memref<128x128xf32, #tpu.memory_space<vmem>>, vector<1x16xf32>,
        %get3A_339 = vector.shape_cast %get3A_338 : vector<1x16xf32> to vector<16xf32>
        %swap3A_340 = arith.index_cast %add3A_333 : i32 to index
        %swap3A_341 = arith.constant 64 : index
        %swap3A_342 = tpu.vector_load %arg10[%swap3A_340, %swap3A_341] {strides = array<i32>} : memref<32x128xf32, #tpu.memory_space<vmem>>, vector<1x16xf32>,
        %swap3A_343 = vector.shape_cast %swap3A_342 : vector<1x16xf32> to vector<16xf32>
        %swap3A_344 = vector.shape_cast %get3A_339 : vector<16xf32> to vector<1x16xf32>
        tpu.vector_store %arg10[%swap3A_340, %swap3A_341], %swap3A_344 {strides = array<i32>} : memref<32x128xf32, #tpu.memory_space<vmem>>, vector<1x16xf32>,
        %add3A_345 = arith.constant 16 : i32
        %add3A_346 = arith.addi %mul3A_329, %add3A_345 : i32
        %get3A_347 = arith.index_cast %add3A_323 : i32 to index
        %get3A_348 = arith.index_cast %add3A_346 : i32 to index
        %get3A_349 = tpu.vector_load %arg8[%get3A_347, %get3A_348] {strides = array<i32>} : memref<128x128xf32, #tpu.memory_space<vmem>>, vector<1x16xf32>,
        %get3A_350 = vector.shape_cast %get3A_349 : vector<1x16xf32> to vector<16xf32>
        %swap3A_351 = arith.index_cast %add3A_333 : i32 to index
        %swap3A_352 = arith.constant 80 : index
        %swap3A_353 = tpu.vector_load %arg10[%swap3A_351, %swap3A_352] {strides = array<i32>} : memref<32x128xf32, #tpu.memory_space<vmem>>, vector<1x16xf32>,
        %swap3A_354 = vector.shape_cast %swap3A_353 : vector<1x16xf32> to vector<16xf32>
        %swap3A_355 = vector.shape_cast %get3A_350 : vector<16xf32> to vector<1x16xf32>
        tpu.vector_store %arg10[%swap3A_351, %swap3A_352], %swap3A_355 {strides = array<i32>} : memref<32x128xf32, #tpu.memory_space<vmem>>, vector<1x16xf32>,
        %mul3A_356 = arith.constant 16 : i32
        %mul3A_357 = arith.muli %scan3A_102, %mul3A_356 : i32
        %add3A_358 = arith.constant 7 : i32
        %add3A_359 = arith.addi %mul3A_357, %add3A_358 : i32
        %slice3A_360 = vector.extract_strided_slice %get3A_107 {offsets = [7], sizes = [1], strides = [1]} : vector<16xi32> to vector<1xi32>
        %squeeze3A_361 = vector.extract %slice3A_360[0] : i32 from vector<1xi32>
        %and3A_362 = arith.constant 3 : i32
        %and3A_363 = arith.andi %squeeze3A_361, %and3A_362 : i32
        %mul3A_364 = arith.constant 32 : i32
        %mul3A_365 = arith.muli %and3A_363, %mul3A_364 : i32
        %mul3A_366 = arith.constant 4 : i32
        %mul3A_367 = arith.muli %scan3A_102, %mul3A_366 : i32
        %add3A_368 = arith.constant 1 : i32
        %add3A_369 = arith.addi %mul3A_367, %add3A_368 : i32
        %add3A_370 = arith.constant 0 : i32
        %add3A_371 = arith.addi %mul3A_365, %add3A_370 : i32
        %get3A_372 = arith.index_cast %add3A_359 : i32 to index
        %get3A_373 = arith.index_cast %add3A_371 : i32 to index
        %get3A_374 = tpu.vector_load %arg8[%get3A_372, %get3A_373] {strides = array<i32>} : memref<128x128xf32, #tpu.memory_space<vmem>>, vector<1x16xf32>,
        %get3A_375 = vector.shape_cast %get3A_374 : vector<1x16xf32> to vector<16xf32>
        %swap3A_376 = arith.index_cast %add3A_369 : i32 to index
        %swap3A_377 = arith.constant 96 : index
        %swap3A_378 = tpu.vector_load %arg10[%swap3A_376, %swap3A_377] {strides = array<i32>} : memref<32x128xf32, #tpu.memory_space<vmem>>, vector<1x16xf32>,
        %swap3A_379 = vector.shape_cast %swap3A_378 : vector<1x16xf32> to vector<16xf32>
        %swap3A_380 = vector.shape_cast %get3A_375 : vector<16xf32> to vector<1x16xf32>
        tpu.vector_store %arg10[%swap3A_376, %swap3A_377], %swap3A_380 {strides = array<i32>} : memref<32x128xf32, #tpu.memory_space<vmem>>, vector<1x16xf32>,
        %add3A_381 = arith.constant 16 : i32
        %add3A_382 = arith.addi %mul3A_365, %add3A_381 : i32
        %get3A_383 = arith.index_cast %add3A_359 : i32 to index
        %get3A_384 = arith.index_cast %add3A_382 : i32 to index
        %get3A_385 = tpu.vector_load %arg8[%get3A_383, %get3A_384] {strides = array<i32>} : memref<128x128xf32, #tpu.memory_space<vmem>>, vector<1x16xf32>,
        %get3A_386 = vector.shape_cast %get3A_385 : vector<1x16xf32> to vector<16xf32>
        %swap3A_387 = arith.index_cast %add3A_369 : i32 to index
        %swap3A_388 = arith.constant 112 : index
        %swap3A_389 = tpu.vector_load %arg10[%swap3A_387, %swap3A_388] {strides = array<i32>} : memref<32x128xf32, #tpu.memory_space<vmem>>, vector<1x16xf32>,
        %swap3A_390 = vector.shape_cast %swap3A_389 : vector<1x16xf32> to vector<16xf32>
        %swap3A_391 = vector.shape_cast %get3A_386 : vector<16xf32> to vector<1x16xf32>
        tpu.vector_store %arg10[%swap3A_387, %swap3A_388], %swap3A_391 {strides = array<i32>} : memref<32x128xf32, #tpu.memory_space<vmem>>, vector<1x16xf32>,
        %mul3A_392 = arith.constant 16 : i32
        %mul3A_393 = arith.muli %scan3A_102, %mul3A_392 : i32
        %add3A_394 = arith.constant 8 : i32
        %add3A_395 = arith.addi %mul3A_393, %add3A_394 : i32
        %slice3A_396 = vector.extract_strided_slice %get3A_107 {offsets = [8], sizes = [1], strides = [1]} : vector<16xi32> to vector<1xi32>
        %squeeze3A_397 = vector.extract %slice3A_396[0] : i32 from vector<1xi32>
        %and3A_398 = arith.constant 3 : i32
        %and3A_399 = arith.andi %squeeze3A_397, %and3A_398 : i32
        %mul3A_400 = arith.constant 32 : i32
        %mul3A_401 = arith.muli %and3A_399, %mul3A_400 : i32
        %mul3A_402 = arith.constant 4 : i32
        %mul3A_403 = arith.muli %scan3A_102, %mul3A_402 : i32
        %add3A_404 = arith.constant 2 : i32
        %add3A_405 = arith.addi %mul3A_403, %add3A_404 : i32
        %add3A_406 = arith.constant 0 : i32
        %add3A_407 = arith.addi %mul3A_401, %add3A_406 : i32
        %get3A_408 = arith.index_cast %add3A_395 : i32 to index
        %get3A_409 = arith.index_cast %add3A_407 : i32 to index
        %get3A_410 = tpu.vector_load %arg8[%get3A_408, %get3A_409] {strides = array<i32>} : memref<128x128xf32, #tpu.memory_space<vmem>>, vector<1x16xf32>,
        %get3A_411 = vector.shape_cast %get3A_410 : vector<1x16xf32> to vector<16xf32>
        %swap3A_412 = arith.index_cast %add3A_405 : i32 to index
        %swap3A_413 = arith.constant 0 : index
        %swap3A_414 = tpu.vector_load %arg10[%swap3A_412, %swap3A_413] {strides = array<i32>} : memref<32x128xf32, #tpu.memory_space<vmem>>, vector<1x16xf32>,
        %swap3A_415 = vector.shape_cast %swap3A_414 : vector<1x16xf32> to vector<16xf32>
        %swap3A_416 = vector.shape_cast %get3A_411 : vector<16xf32> to vector<1x16xf32>
        tpu.vector_store %arg10[%swap3A_412, %swap3A_413], %swap3A_416 {strides = array<i32>} : memref<32x128xf32, #tpu.memory_space<vmem>>, vector<1x16xf32>,
        %add3A_417 = arith.constant 16 : i32
        %add3A_418 = arith.addi %mul3A_401, %add3A_417 : i32
        %get3A_419 = arith.index_cast %add3A_395 : i32 to index
        %get3A_420 = arith.index_cast %add3A_418 : i32 to index
        %get3A_421 = tpu.vector_load %arg8[%get3A_419, %get3A_420] {strides = array<i32>} : memref<128x128xf32, #tpu.memory_space<vmem>>, vector<1x16xf32>,
        %get3A_422 = vector.shape_cast %get3A_421 : vector<1x16xf32> to vector<16xf32>
        %swap3A_423 = arith.index_cast %add3A_405 : i32 to index
        %swap3A_424 = arith.constant 16 : index
        %swap3A_425 = tpu.vector_load %arg10[%swap3A_423, %swap3A_424] {strides = array<i32>} : memref<32x128xf32, #tpu.memory_space<vmem>>, vector<1x16xf32>,
        %swap3A_426 = vector.shape_cast %swap3A_425 : vector<1x16xf32> to vector<16xf32>
        %swap3A_427 = vector.shape_cast %get3A_422 : vector<16xf32> to vector<1x16xf32>
        tpu.vector_store %arg10[%swap3A_423, %swap3A_424], %swap3A_427 {strides = array<i32>} : memref<32x128xf32, #tpu.memory_space<vmem>>, vector<1x16xf32>,
        %mul3A_428 = arith.constant 16 : i32
        %mul3A_429 = arith.muli %scan3A_102, %mul3A_428 : i32
        %add3A_430 = arith.constant 9 : i32
        %add3A_431 = arith.addi %mul3A_429, %add3A_430 : i32
        %slice3A_432 = vector.extract_strided_slice %get3A_107 {offsets = [9], sizes = [1], strides = [1]} : vector<16xi32> to vector<1xi32>
        %squeeze3A_433 = vector.extract %slice3A_432[0] : i32 from vector<1xi32>
        %and3A_434 = arith.constant 3 : i32
        %and3A_435 = arith.andi %squeeze3A_433, %and3A_434 : i32
        %mul3A_436 = arith.constant 32 : i32
        %mul3A_437 = arith.muli %and3A_435, %mul3A_436 : i32
        %mul3A_438 = arith.constant 4 : i32
        %mul3A_439 = arith.muli %scan3A_102, %mul3A_438 : i32
        %add3A_440 = arith.constant 2 : i32
        %add3A_441 = arith.addi %mul3A_439, %add3A_440 : i32
        %add3A_442 = arith.constant 0 : i32
        %add3A_443 = arith.addi %mul3A_437, %add3A_442 : i32
        %get3A_444 = arith.index_cast %add3A_431 : i32 to index
        %get3A_445 = arith.index_cast %add3A_443 : i32 to index
        %get3A_446 = tpu.vector_load %arg8[%get3A_444, %get3A_445] {strides = array<i32>} : memref<128x128xf32, #tpu.memory_space<vmem>>, vector<1x16xf32>,
        %get3A_447 = vector.shape_cast %get3A_446 : vector<1x16xf32> to vector<16xf32>
        %swap3A_448 = arith.index_cast %add3A_441 : i32 to index
        %swap3A_449 = arith.constant 32 : index
        %swap3A_450 = tpu.vector_load %arg10[%swap3A_448, %swap3A_449] {strides = array<i32>} : memref<32x128xf32, #tpu.memory_space<vmem>>, vector<1x16xf32>,
        %swap3A_451 = vector.shape_cast %swap3A_450 : vector<1x16xf32> to vector<16xf32>
        %swap3A_452 = vector.shape_cast %get3A_447 : vector<16xf32> to vector<1x16xf32>
        tpu.vector_store %arg10[%swap3A_448, %swap3A_449], %swap3A_452 {strides = array<i32>} : memref<32x128xf32, #tpu.memory_space<vmem>>, vector<1x16xf32>,
        %add3A_453 = arith.constant 16 : i32
        %add3A_454 = arith.addi %mul3A_437, %add3A_453 : i32
        %get3A_455 = arith.index_cast %add3A_431 : i32 to index
        %get3A_456 = arith.index_cast %add3A_454 : i32 to index
        %get3A_457 = tpu.vector_load %arg8[%get3A_455, %get3A_456] {strides = array<i32>} : memref<128x128xf32, #tpu.memory_space<vmem>>, vector<1x16xf32>,
        %get3A_458 = vector.shape_cast %get3A_457 : vector<1x16xf32> to vector<16xf32>
        %swap3A_459 = arith.index_cast %add3A_441 : i32 to index
        %swap3A_460 = arith.constant 48 : index
        %swap3A_461 = tpu.vector_load %arg10[%swap3A_459, %swap3A_460] {strides = array<i32>} : memref<32x128xf32, #tpu.memory_space<vmem>>, vector<1x16xf32>,
        %swap3A_462 = vector.shape_cast %swap3A_461 : vector<1x16xf32> to vector<16xf32>
        %swap3A_463 = vector.shape_cast %get3A_458 : vector<16xf32> to vector<1x16xf32>
        tpu.vector_store %arg10[%swap3A_459, %swap3A_460], %swap3A_463 {strides = array<i32>} : memref<32x128xf32, #tpu.memory_space<vmem>>, vector<1x16xf32>,
        %mul3A_464 = arith.constant 16 : i32
        %mul3A_465 = arith.muli %scan3A_102, %mul3A_464 : i32
        %add3A_466 = arith.constant 10 : i32
        %add3A_467 = arith.addi %mul3A_465, %add3A_466 : i32
        %slice3A_468 = vector.extract_strided_slice %get3A_107 {offsets = [10], sizes = [1], strides = [1]} : vector<16xi32> to vector<1xi32>
        %squeeze3A_469 = vector.extract %slice3A_468[0] : i32 from vector<1xi32>
        %and3A_470 = arith.constant 3 : i32
        %and3A_471 = arith.andi %squeeze3A_469, %and3A_470 : i32
        %mul3A_472 = arith.constant 32 : i32
        %mul3A_473 = arith.muli %and3A_471, %mul3A_472 : i32
        %mul3A_474 = arith.constant 4 : i32
        %mul3A_475 = arith.muli %scan3A_102, %mul3A_474 : i32
        %add3A_476 = arith.constant 2 : i32
        %add3A_477 = arith.addi %mul3A_475, %add3A_476 : i32
        %add3A_478 = arith.constant 0 : i32
        %add3A_479 = arith.addi %mul3A_473, %add3A_478 : i32
        %get3A_480 = arith.index_cast %add3A_467 : i32 to index
        %get3A_481 = arith.index_cast %add3A_479 : i32 to index
        %get3A_482 = tpu.vector_load %arg8[%get3A_480, %get3A_481] {strides = array<i32>} : memref<128x128xf32, #tpu.memory_space<vmem>>, vector<1x16xf32>,
        %get3A_483 = vector.shape_cast %get3A_482 : vector<1x16xf32> to vector<16xf32>
        %swap3A_484 = arith.index_cast %add3A_477 : i32 to index
        %swap3A_485 = arith.constant 64 : index
        %swap3A_486 = tpu.vector_load %arg10[%swap3A_484, %swap3A_485] {strides = array<i32>} : memref<32x128xf32, #tpu.memory_space<vmem>>, vector<1x16xf32>,
        %swap3A_487 = vector.shape_cast %swap3A_486 : vector<1x16xf32> to vector<16xf32>
        %swap3A_488 = vector.shape_cast %get3A_483 : vector<16xf32> to vector<1x16xf32>
        tpu.vector_store %arg10[%swap3A_484, %swap3A_485], %swap3A_488 {strides = array<i32>} : memref<32x128xf32, #tpu.memory_space<vmem>>, vector<1x16xf32>,
        %add3A_489 = arith.constant 16 : i32
        %add3A_490 = arith.addi %mul3A_473, %add3A_489 : i32
        %get3A_491 = arith.index_cast %add3A_467 : i32 to index
        %get3A_492 = arith.index_cast %add3A_490 : i32 to index
        %get3A_493 = tpu.vector_load %arg8[%get3A_491, %get3A_492] {strides = array<i32>} : memref<128x128xf32, #tpu.memory_space<vmem>>, vector<1x16xf32>,
        %get3A_494 = vector.shape_cast %get3A_493 : vector<1x16xf32> to vector<16xf32>
        %swap3A_495 = arith.index_cast %add3A_477 : i32 to index
        %swap3A_496 = arith.constant 80 : index
        %swap3A_497 = tpu.vector_load %arg10[%swap3A_495, %swap3A_496] {strides = array<i32>} : memref<32x128xf32, #tpu.memory_space<vmem>>, vector<1x16xf32>,
        %swap3A_498 = vector.shape_cast %swap3A_497 : vector<1x16xf32> to vector<16xf32>
        %swap3A_499 = vector.shape_cast %get3A_494 : vector<16xf32> to vector<1x16xf32>
        tpu.vector_store %arg10[%swap3A_495, %swap3A_496], %swap3A_499 {strides = array<i32>} : memref<32x128xf32, #tpu.memory_space<vmem>>, vector<1x16xf32>,
        %mul3A_500 = arith.constant 16 : i32
        %mul3A_501 = arith.muli %scan3A_102, %mul3A_500 : i32
        %add3A_502 = arith.constant 11 : i32
        %add3A_503 = arith.addi %mul3A_501, %add3A_502 : i32
        %slice3A_504 = vector.extract_strided_slice %get3A_107 {offsets = [11], sizes = [1], strides = [1]} : vector<16xi32> to vector<1xi32>
        %squeeze3A_505 = vector.extract %slice3A_504[0] : i32 from vector<1xi32>
        %and3A_506 = arith.constant 3 : i32
        %and3A_507 = arith.andi %squeeze3A_505, %and3A_506 : i32
        %mul3A_508 = arith.constant 32 : i32
        %mul3A_509 = arith.muli %and3A_507, %mul3A_508 : i32
        %mul3A_510 = arith.constant 4 : i32
        %mul3A_511 = arith.muli %scan3A_102, %mul3A_510 : i32
        %add3A_512 = arith.constant 2 : i32
        %add3A_513 = arith.addi %mul3A_511, %add3A_512 : i32
        %add3A_514 = arith.constant 0 : i32
        %add3A_515 = arith.addi %mul3A_509, %add3A_514 : i32
        %get3A_516 = arith.index_cast %add3A_503 : i32 to index
        %get3A_517 = arith.index_cast %add3A_515 : i32 to index
        %get3A_518 = tpu.vector_load %arg8[%get3A_516, %get3A_517] {strides = array<i32>} : memref<128x128xf32, #tpu.memory_space<vmem>>, vector<1x16xf32>,
        %get3A_519 = vector.shape_cast %get3A_518 : vector<1x16xf32> to vector<16xf32>
        %swap3A_520 = arith.index_cast %add3A_513 : i32 to index
        %swap3A_521 = arith.constant 96 : index
        %swap3A_522 = tpu.vector_load %arg10[%swap3A_520, %swap3A_521] {strides = array<i32>} : memref<32x128xf32, #tpu.memory_space<vmem>>, vector<1x16xf32>,
        %swap3A_523 = vector.shape_cast %swap3A_522 : vector<1x16xf32> to vector<16xf32>
        %swap3A_524 = vector.shape_cast %get3A_519 : vector<16xf32> to vector<1x16xf32>
        tpu.vector_store %arg10[%swap3A_520, %swap3A_521], %swap3A_524 {strides = array<i32>} : memref<32x128xf32, #tpu.memory_space<vmem>>, vector<1x16xf32>,
        %add3A_525 = arith.constant 16 : i32
        %add3A_526 = arith.addi %mul3A_509, %add3A_525 : i32
        %get3A_527 = arith.index_cast %add3A_503 : i32 to index
        %get3A_528 = arith.index_cast %add3A_526 : i32 to index
        %get3A_529 = tpu.vector_load %arg8[%get3A_527, %get3A_528] {strides = array<i32>} : memref<128x128xf32, #tpu.memory_space<vmem>>, vector<1x16xf32>,
        %get3A_530 = vector.shape_cast %get3A_529 : vector<1x16xf32> to vector<16xf32>
        %swap3A_531 = arith.index_cast %add3A_513 : i32 to index
        %swap3A_532 = arith.constant 112 : index
        %swap3A_533 = tpu.vector_load %arg10[%swap3A_531, %swap3A_532] {strides = array<i32>} : memref<32x128xf32, #tpu.memory_space<vmem>>, vector<1x16xf32>,
        %swap3A_534 = vector.shape_cast %swap3A_533 : vector<1x16xf32> to vector<16xf32>
        %swap3A_535 = vector.shape_cast %get3A_530 : vector<16xf32> to vector<1x16xf32>
        tpu.vector_store %arg10[%swap3A_531, %swap3A_532], %swap3A_535 {strides = array<i32>} : memref<32x128xf32, #tpu.memory_space<vmem>>, vector<1x16xf32>,
        %mul3A_536 = arith.constant 16 : i32
        %mul3A_537 = arith.muli %scan3A_102, %mul3A_536 : i32
        %add3A_538 = arith.constant 12 : i32
        %add3A_539 = arith.addi %mul3A_537, %add3A_538 : i32
        %slice3A_540 = vector.extract_strided_slice %get3A_107 {offsets = [12], sizes = [1], strides = [1]} : vector<16xi32> to vector<1xi32>
        %squeeze3A_541 = vector.extract %slice3A_540[0] : i32 from vector<1xi32>
        %and3A_542 = arith.constant 3 : i32
        %and3A_543 = arith.andi %squeeze3A_541, %and3A_542 : i32
        %mul3A_544 = arith.constant 32 : i32
        %mul3A_545 = arith.muli %and3A_543, %mul3A_544 : i32
        %mul3A_546 = arith.constant 4 : i32
        %mul3A_547 = arith.muli %scan3A_102, %mul3A_546 : i32
        %add3A_548 = arith.constant 3 : i32
        %add3A_549 = arith.addi %mul3A_547, %add3A_548 : i32
        %add3A_550 = arith.constant 0 : i32
        %add3A_551 = arith.addi %mul3A_545, %add3A_550 : i32
        %get3A_552 = arith.index_cast %add3A_539 : i32 to index
        %get3A_553 = arith.index_cast %add3A_551 : i32 to index
        %get3A_554 = tpu.vector_load %arg8[%get3A_552, %get3A_553] {strides = array<i32>} : memref<128x128xf32, #tpu.memory_space<vmem>>, vector<1x16xf32>,
        %get3A_555 = vector.shape_cast %get3A_554 : vector<1x16xf32> to vector<16xf32>
        %swap3A_556 = arith.index_cast %add3A_549 : i32 to index
        %swap3A_557 = arith.constant 0 : index
        %swap3A_558 = tpu.vector_load %arg10[%swap3A_556, %swap3A_557] {strides = array<i32>} : memref<32x128xf32, #tpu.memory_space<vmem>>, vector<1x16xf32>,
        %swap3A_559 = vector.shape_cast %swap3A_558 : vector<1x16xf32> to vector<16xf32>
        %swap3A_560 = vector.shape_cast %get3A_555 : vector<16xf32> to vector<1x16xf32>
        tpu.vector_store %arg10[%swap3A_556, %swap3A_557], %swap3A_560 {strides = array<i32>} : memref<32x128xf32, #tpu.memory_space<vmem>>, vector<1x16xf32>,
        %add3A_561 = arith.constant 16 : i32
        %add3A_562 = arith.addi %mul3A_545, %add3A_561 : i32
        %get3A_563 = arith.index_cast %add3A_539 : i32 to index
        %get3A_564 = arith.index_cast %add3A_562 : i32 to index
        %get3A_565 = tpu.vector_load %arg8[%get3A_563, %get3A_564] {strides = array<i32>} : memref<128x128xf32, #tpu.memory_space<vmem>>, vector<1x16xf32>,
        %get3A_566 = vector.shape_cast %get3A_565 : vector<1x16xf32> to vector<16xf32>
        %swap3A_567 = arith.index_cast %add3A_549 : i32 to index
        %swap3A_568 = arith.constant 16 : index
        %swap3A_569 = tpu.vector_load %arg10[%swap3A_567, %swap3A_568] {strides = array<i32>} : memref<32x128xf32, #tpu.memory_space<vmem>>, vector<1x16xf32>,
        %swap3A_570 = vector.shape_cast %swap3A_569 : vector<1x16xf32> to vector<16xf32>
        %swap3A_571 = vector.shape_cast %get3A_566 : vector<16xf32> to vector<1x16xf32>
        tpu.vector_store %arg10[%swap3A_567, %swap3A_568], %swap3A_571 {strides = array<i32>} : memref<32x128xf32, #tpu.memory_space<vmem>>, vector<1x16xf32>,
        %mul3A_572 = arith.constant 16 : i32
        %mul3A_573 = arith.muli %scan3A_102, %mul3A_572 : i32
        %add3A_574 = arith.constant 13 : i32
        %add3A_575 = arith.addi %mul3A_573, %add3A_574 : i32
        %slice3A_576 = vector.extract_strided_slice %get3A_107 {offsets = [13], sizes = [1], strides = [1]} : vector<16xi32> to vector<1xi32>
        %squeeze3A_577 = vector.extract %slice3A_576[0] : i32 from vector<1xi32>
        %and3A_578 = arith.constant 3 : i32
        %and3A_579 = arith.andi %squeeze3A_577, %and3A_578 : i32
        %mul3A_580 = arith.constant 32 : i32
        %mul3A_581 = arith.muli %and3A_579, %mul3A_580 : i32
        %mul3A_582 = arith.constant 4 : i32
        %mul3A_583 = arith.muli %scan3A_102, %mul3A_582 : i32
        %add3A_584 = arith.constant 3 : i32
        %add3A_585 = arith.addi %mul3A_583, %add3A_584 : i32
        %add3A_586 = arith.constant 0 : i32
        %add3A_587 = arith.addi %mul3A_581, %add3A_586 : i32
        %get3A_588 = arith.index_cast %add3A_575 : i32 to index
        %get3A_589 = arith.index_cast %add3A_587 : i32 to index
        %get3A_590 = tpu.vector_load %arg8[%get3A_588, %get3A_589] {strides = array<i32>} : memref<128x128xf32, #tpu.memory_space<vmem>>, vector<1x16xf32>,
        %get3A_591 = vector.shape_cast %get3A_590 : vector<1x16xf32> to vector<16xf32>
        %swap3A_592 = arith.index_cast %add3A_585 : i32 to index
        %swap3A_593 = arith.constant 32 : index
        %swap3A_594 = tpu.vector_load %arg10[%swap3A_592, %swap3A_593] {strides = array<i32>} : memref<32x128xf32, #tpu.memory_space<vmem>>, vector<1x16xf32>,
        %swap3A_595 = vector.shape_cast %swap3A_594 : vector<1x16xf32> to vector<16xf32>
        %swap3A_596 = vector.shape_cast %get3A_591 : vector<16xf32> to vector<1x16xf32>
        tpu.vector_store %arg10[%swap3A_592, %swap3A_593], %swap3A_596 {strides = array<i32>} : memref<32x128xf32, #tpu.memory_space<vmem>>, vector<1x16xf32>,
        %add3A_597 = arith.constant 16 : i32
        %add3A_598 = arith.addi %mul3A_581, %add3A_597 : i32
        %get3A_599 = arith.index_cast %add3A_575 : i32 to index
        %get3A_600 = arith.index_cast %add3A_598 : i32 to index
        %get3A_601 = tpu.vector_load %arg8[%get3A_599, %get3A_600] {strides = array<i32>} : memref<128x128xf32, #tpu.memory_space<vmem>>, vector<1x16xf32>,
        %get3A_602 = vector.shape_cast %get3A_601 : vector<1x16xf32> to vector<16xf32>
        %swap3A_603 = arith.index_cast %add3A_585 : i32 to index
        %swap3A_604 = arith.constant 48 : index
        %swap3A_605 = tpu.vector_load %arg10[%swap3A_603, %swap3A_604] {strides = array<i32>} : memref<32x128xf32, #tpu.memory_space<vmem>>, vector<1x16xf32>,
        %swap3A_606 = vector.shape_cast %swap3A_605 : vector<1x16xf32> to vector<16xf32>
        %swap3A_607 = vector.shape_cast %get3A_602 : vector<16xf32> to vector<1x16xf32>
        tpu.vector_store %arg10[%swap3A_603, %swap3A_604], %swap3A_607 {strides = array<i32>} : memref<32x128xf32, #tpu.memory_space<vmem>>, vector<1x16xf32>,
        %mul3A_608 = arith.constant 16 : i32
        %mul3A_609 = arith.muli %scan3A_102, %mul3A_608 : i32
        %add3A_610 = arith.constant 14 : i32
        %add3A_611 = arith.addi %mul3A_609, %add3A_610 : i32
        %slice3A_612 = vector.extract_strided_slice %get3A_107 {offsets = [14], sizes = [1], strides = [1]} : vector<16xi32> to vector<1xi32>
        %squeeze3A_613 = vector.extract %slice3A_612[0] : i32 from vector<1xi32>
        %and3A_614 = arith.constant 3 : i32
        %and3A_615 = arith.andi %squeeze3A_613, %and3A_614 : i32
        %mul3A_616 = arith.constant 32 : i32
        %mul3A_617 = arith.muli %and3A_615, %mul3A_616 : i32
        %mul3A_618 = arith.constant 4 : i32
        %mul3A_619 = arith.muli %scan3A_102, %mul3A_618 : i32
        %add3A_620 = arith.constant 3 : i32
        %add3A_621 = arith.addi %mul3A_619, %add3A_620 : i32
        %add3A_622 = arith.constant 0 : i32
        %add3A_623 = arith.addi %mul3A_617, %add3A_622 : i32
        %get3A_624 = arith.index_cast %add3A_611 : i32 to index
        %get3A_625 = arith.index_cast %add3A_623 : i32 to index
        %get3A_626 = tpu.vector_load %arg8[%get3A_624, %get3A_625] {strides = array<i32>} : memref<128x128xf32, #tpu.memory_space<vmem>>, vector<1x16xf32>,
        %get3A_627 = vector.shape_cast %get3A_626 : vector<1x16xf32> to vector<16xf32>
        %swap3A_628 = arith.index_cast %add3A_621 : i32 to index
        %swap3A_629 = arith.constant 64 : index
        %swap3A_630 = tpu.vector_load %arg10[%swap3A_628, %swap3A_629] {strides = array<i32>} : memref<32x128xf32, #tpu.memory_space<vmem>>, vector<1x16xf32>,
        %swap3A_631 = vector.shape_cast %swap3A_630 : vector<1x16xf32> to vector<16xf32>
        %swap3A_632 = vector.shape_cast %get3A_627 : vector<16xf32> to vector<1x16xf32>
        tpu.vector_store %arg10[%swap3A_628, %swap3A_629], %swap3A_632 {strides = array<i32>} : memref<32x128xf32, #tpu.memory_space<vmem>>, vector<1x16xf32>,
        %add3A_633 = arith.constant 16 : i32
        %add3A_634 = arith.addi %mul3A_617, %add3A_633 : i32
        %get3A_635 = arith.index_cast %add3A_611 : i32 to index
        %get3A_636 = arith.index_cast %add3A_634 : i32 to index
        %get3A_637 = tpu.vector_load %arg8[%get3A_635, %get3A_636] {strides = array<i32>} : memref<128x128xf32, #tpu.memory_space<vmem>>, vector<1x16xf32>,
        %get3A_638 = vector.shape_cast %get3A_637 : vector<1x16xf32> to vector<16xf32>
        %swap3A_639 = arith.index_cast %add3A_621 : i32 to index
        %swap3A_640 = arith.constant 80 : index
        %swap3A_641 = tpu.vector_load %arg10[%swap3A_639, %swap3A_640] {strides = array<i32>} : memref<32x128xf32, #tpu.memory_space<vmem>>, vector<1x16xf32>,
        %swap3A_642 = vector.shape_cast %swap3A_641 : vector<1x16xf32> to vector<16xf32>
        %swap3A_643 = vector.shape_cast %get3A_638 : vector<16xf32> to vector<1x16xf32>
        tpu.vector_store %arg10[%swap3A_639, %swap3A_640], %swap3A_643 {strides = array<i32>} : memref<32x128xf32, #tpu.memory_space<vmem>>, vector<1x16xf32>,
        %mul3A_644 = arith.constant 16 : i32
        %mul3A_645 = arith.muli %scan3A_102, %mul3A_644 : i32
        %add3A_646 = arith.constant 15 : i32
        %add3A_647 = arith.addi %mul3A_645, %add3A_646 : i32
        %slice3A_648 = vector.extract_strided_slice %get3A_107 {offsets = [15], sizes = [1], strides = [1]} : vector<16xi32> to vector<1xi32>
        %squeeze3A_649 = vector.extract %slice3A_648[0] : i32 from vector<1xi32>
        %and3A_650 = arith.constant 3 : i32
        %and3A_651 = arith.andi %squeeze3A_649, %and3A_650 : i32
        %mul3A_652 = arith.constant 32 : i32
        %mul3A_653 = arith.muli %and3A_651, %mul3A_652 : i32
        %mul3A_654 = arith.constant 4 : i32
        %mul3A_655 = arith.muli %scan3A_102, %mul3A_654 : i32
        %add3A_656 = arith.constant 3 : i32
        %add3A_657 = arith.addi %mul3A_655, %add3A_656 : i32
        %add3A_658 = arith.constant 0 : i32
        %add3A_659 = arith.addi %mul3A_653, %add3A_658 : i32
        %get3A_660 = arith.index_cast %add3A_647 : i32 to index
        %get3A_661 = arith.index_cast %add3A_659 : i32 to index
        %get3A_662 = tpu.vector_load %arg8[%get3A_660, %get3A_661] {strides = array<i32>} : memref<128x128xf32, #tpu.memory_space<vmem>>, vector<1x16xf32>,
        %get3A_663 = vector.shape_cast %get3A_662 : vector<1x16xf32> to vector<16xf32>
        %swap3A_664 = arith.index_cast %add3A_657 : i32 to index
        %swap3A_665 = arith.constant 96 : index
        %swap3A_666 = tpu.vector_load %arg10[%swap3A_664, %swap3A_665] {strides = array<i32>} : memref<32x128xf32, #tpu.memory_space<vmem>>, vector<1x16xf32>,
        %swap3A_667 = vector.shape_cast %swap3A_666 : vector<1x16xf32> to vector<16xf32>
        %swap3A_668 = vector.shape_cast %get3A_663 : vector<16xf32> to vector<1x16xf32>
        tpu.vector_store %arg10[%swap3A_664, %swap3A_665], %swap3A_668 {strides = array<i32>} : memref<32x128xf32, #tpu.memory_space<vmem>>, vector<1x16xf32>,
        %add3A_669 = arith.constant 16 : i32
        %add3A_670 = arith.addi %mul3A_653, %add3A_669 : i32
        %get3A_671 = arith.index_cast %add3A_647 : i32 to index
        %get3A_672 = arith.index_cast %add3A_670 : i32 to index
        %get3A_673 = tpu.vector_load %arg8[%get3A_671, %get3A_672] {strides = array<i32>} : memref<128x128xf32, #tpu.memory_space<vmem>>, vector<1x16xf32>,
        %get3A_674 = vector.shape_cast %get3A_673 : vector<1x16xf32> to vector<16xf32>
        %swap3A_675 = arith.index_cast %add3A_657 : i32 to index
        %swap3A_676 = arith.constant 112 : index
        %swap3A_677 = tpu.vector_load %arg10[%swap3A_675, %swap3A_676] {strides = array<i32>} : memref<32x128xf32, #tpu.memory_space<vmem>>, vector<1x16xf32>,
        %swap3A_678 = vector.shape_cast %swap3A_677 : vector<1x16xf32> to vector<16xf32>
        %swap3A_679 = vector.shape_cast %get3A_674 : vector<16xf32> to vector<1x16xf32>
        tpu.vector_store %arg10[%swap3A_675, %swap3A_676], %swap3A_679 {strides = array<i32>} : memref<32x128xf32, #tpu.memory_space<vmem>>, vector<1x16xf32>,
      }
      %scan3A_92 = arith.constant 8 : i32
      %add3A_93 = arith.addi %mul3A_4, %add3A_68 : i32
      %dma_start3A_94 = arith.constant 0 : i32
      %dma_start3A_95 = arith.constant 0 : i32
      %dma_start3A_96 = tpu.memref_slice %arg4[%add3A_93, %dma_start3A_94, %dma_start3A_95] : memref<6400x32x128xf32, #tpu.memory_space<hbm>> -> memref<1x32x128xf32, #tpu.memory_space<hbm>>
      %dma_start3A_97 = tpu.memref_squeeze %dma_start3A_96 : memref<1x32x128xf32, #tpu.memory_space<hbm>> -> memref<32x128xf32, #tpu.memory_space<hbm>>
      %dma_start3A_98 = arith.constant 0 : i32
      %dma_start3A_99 = arith.constant 0 : i32
      %dma_start3A_100 = tpu.memref_slice %arg4[%add3A_93, %dma_start3A_98, %dma_start3A_99] : memref<6400x32x128xf32, #tpu.memory_space<hbm>> -> memref<1x32x128xf32, #tpu.memory_space<hbm>>
      %dma_start3A_101 = tpu.memref_squeeze %dma_start3A_100 : memref<1x32x128xf32, #tpu.memory_space<hbm>> -> memref<32x128xf32, #tpu.memory_space<hbm>>
      tpu.enqueue_dma source(%arg10 : memref<32x128xf32, #tpu.memory_space<vmem>>) target(%dma_start3A_101 : memref<32x128xf32, #tpu.memory_space<hbm>>) target_semaphore(%arg12 : memref<!tpu.dma_semaphore, #tpu.memory_space<semaphore_mem>>)
    }
    %scan3A_21 = arith.constant 100 : i32
    %add3A_22 = arith.constant 199 : i32
    %add3A_23 = arith.addi %mul3A_4, %add3A_22 : i32
    %dma_wait3A = arith.constant 0 : i32
    %dma_wait3A_24 = arith.constant 0 : i32
    %dma_wait3A_25 = tpu.memref_slice %arg4[%add3A_23, %dma_wait3A, %dma_wait3A_24] : memref<6400x32x128xf32, #tpu.memory_space<hbm>> -> memref<1x32x128xf32, #tpu.memory_space<hbm>>
    %dma_wait3A_26 = tpu.memref_squeeze %dma_wait3A_25 : memref<1x32x128xf32, #tpu.memory_space<hbm>> -> memref<32x128xf32, #tpu.memory_space<hbm>>
    %dma_wait3A_27 = arith.constant 0 : i32
    %dma_wait3A_28 = arith.constant 0 : i32
    %dma_wait3A_29 = tpu.memref_slice %arg4[%add3A_23, %dma_wait3A_27, %dma_wait3A_28] : memref<6400x32x128xf32, #tpu.memory_space<hbm>> -> memref<1x32x128xf32, #tpu.memory_space<hbm>>
    %dma_wait3A_30 = tpu.memref_squeeze %dma_wait3A_29 : memref<1x32x128xf32, #tpu.memory_space<hbm>> -> memref<32x128xf32, #tpu.memory_space<hbm>>
    tpu.wait_dma2 semaphore(%arg12 : memref<!tpu.dma_semaphore, #tpu.memory_space<semaphore_mem>>) src(%arg10 : memref<32x128xf32, #tpu.memory_space<vmem>>) dst(%dma_wait3A_30 : memref<32x128xf32, #tpu.memory_space<hbm>>)
    return
  }
}

</mosaic_0001>

<sc_bundles>
// kernel: kernel.3.cloned.1.call-start
scs
__scs_entry_jumppad:
0x0: {  	(pc) =	sbr.rel $0x88, $3  }
0x1: {  	(tag) =	ssettag $0x0;
	lr =	simm.s32 $0x1  }
0x2: {  	[smem:$0x3F9F] =	sst lr;
	_ =	strace $0xD0000000  }
0x3: {  	_ = 	snop  }
0x4: {  	_ = 	snop  }
0x5: {  	_ = 	snop  }
0x6: {  	_ = 	snop  }
0x7: {  	_ = 	snop  }
__scs_overlays_trampoline_lowered:
0x8: {  	[smem:$0x3FAE] =	sst s0  }
0x9: {  	[smem:$0x3FAF] =	sst s1  }
0xa: {  	[smem:$0x3FB0] =	sst s2  }
0xb: {  	[smem:$0x3FB1] =	sst s3  }
0xc: {  	[smem:$0x3FB2] =	sst s4  }
0xd: {  	[smem:$0x3FB3] =	sst s5  }
0xe: {  	[smem:$0x3FB4] =	sst s6  }
0xf: {  	[smem:$0x3FB5] =	sst s7  }
0x10: {  	[smem:$0x3FB6] =	sst s8  }
0x11: {  	[smem:$0x3FB7] =	sst s9;
	s0 =	simm.s32 @!p0 $0x0  }
0x12: {  	s1 =	sld [smem:$0x3F9D];
	s0 =	simm.s32 @p0 $0x1  }
0x13: {  	[smem:$0x3FB8] =	sst s0;
	s0 =	simm.s32 @!p1 $0x0  }
0x14: {  	s2 =	sld [smem:$0x3F9C];
	s0 =	simm.s32 @p1 $0x1  }
0x15: {  	[smem:$0x3FB9] =	sst s0;
	s0 =	simm.s32 @!p2 $0x0  }
0x16: {  	s3 =	sld [smem:$0x3FDB];
	s0 =	simm.s32 @p2 $0x1  }
0x17: {  	s4 =	simm.s32 $0x1BF5;
	[smem:$0x3FBB] =	sst s0  }
0x18: {  	s0 =	sld [smem:$0x3F9E];
	_ =	swait.ge [sflag:s4], $0x0  }
0x19: {  	s7 =	sld [smem:$0x3F9F]  }
0x1a: {  	s8 =	sadd.s32 $0xFFFFE003, lr  }
0x1b: {  	s9 =	sadd.s32 $0xFFFFFEF7, lr;
	s5 =	simm.s32 $0xFFFFFFFF;
	p2 =	slt.u32 s8, $0xFFFFF086  }
0x1c: {  	p1 =	slt.u32 s9, $0xF7A;
	s5 =	simm.s32 @!p2 $0x0  }
0x1d: {  	s5 =	simm.s32 @p1 $0x1;
	p0 =	seq.s32 s7, s2  }
0x1e: {  	s7 =	smul.u32 @!p0 $0xF7A, s2;
	p2 =	seq.s32 @!p0 s5, $0x0  }
0x1f: {  	s9 =	smul.u32 $0xF7A, s1;
	s8 =	simm.s32 @!p0 $0x1BF5;
	p2 =	por !p2, p0  }
0x20: {  	[sflag:s8] =	ssyncset.s32 @!p0 $0xFFFFF086;
	s6 =	sadd.s32 @!p0 s3, s7;
	s7 =	simm.s32 @!p0 $0x108  }
0x21: {  	s3 =	sadd.s32 s3, s9;
	s6 =	sadd.s32 @!p0 $0x88, s6;
	s7 =	simm.s32 @p2 $0x1082  }
0x22: {  	[simem:s7], [sflag:s8] =	dma.local @!p0 [hbm:s6], $0xF7A  }
0x23: {  	s9 =	sor.u32 $0xD0000000, s2;
	s6 =	simm.s32 $0x108;
	_ =	swait.ge @!p0 [sflag:s8], $0x0  }
0x24: {  	s3 =	sadd.s32 $0x88, s3;
	s6 =	simm.s32 @!p1 $0x1082;
	[sflag:s4] =	ssyncset.s32 $0xFFFFF086  }
0x25: {  	[simem:s6], [sflag:s4] =	dma.local [hbm:s3], $0xF7A  }
0x26: {  	[smem:$0x3F9F] =	sst s1;
	(tag) =	ssettag s2;
	_ =	strace s9  }
0x27: {  	s1 =	sld [smem:$0x3FAF]  }
0x28: {  	s2 =	sld [smem:$0x3FB0]  }
0x29: {  	s4 =	sld [smem:$0x3FB2]  }
0x2a: {  	p0 =	seq.s32 s5, $0x0;
	s5 =	sld [smem:$0x3FB3]  }
0x2b: {  	s6 =	sld [smem:$0x3FB4]  }
0x2c: {  	s7 =	sld [smem:$0x3FB5]  }
0x2d: {  	s3 =	simm.s32 $0x108;
	s8 =	sld [smem:$0x3FB6]  }
0x2e: {  	s3 =	simm.s32 @!p0 $0x1082;
	s9 =	sld [smem:$0x3FB7]  }
0x2f: {  	lr =	sadd.s32 s0, s3;
	s0 =	sld [smem:$0x3FAE]  }
0x30: {  	s3 =	sld [smem:$0x3FB1]  }
0x31: {  	[smem:$0x3FBA] =	sst s10  }
0x32: {  	s10 =	sld [smem:$0x3FB8];
	_ =	sdelay $0x3  }
0x33: {  	p0 =	seq.s32 s10, $0x1;
	s10 =	sld [smem:$0x3FBA];
	_ =	sdelay $0x3  }
0x34: {  	[smem:$0x3FBA] =	sst s10  }
0x35: {  	s10 =	sld [smem:$0x3FB9];
	_ =	sdelay $0x3  }
0x36: {  	p1 =	seq.s32 s10, $0x1;
	s10 =	sld [smem:$0x3FBA];
	_ =	sdelay $0x3  }
0x37: {  	[smem:$0x3FBA] =	sst s10  }
0x38: {  	s10 =	sld [smem:$0x3FBB]  }
0x39: {  	_ = 	snop;
	(pc) =	sbr.ind lr, $3  }
0x3a: {  	_ = 	snop  }
0x3b: {  	_ = 	snop  }
0x3c: {  	p2 =	seq.s32 s10, $0x1;
	s10 =	sld [smem:$0x3FBA]  }
0x3d: {  	_ =	shalt  }
0x3e: {  	_ =	shalt  }
0x3f: {  	_ =	shalt  }
0x40: {  	_ =	shalt  }
0x41: {  	_ =	shalt  }
0x42: {  	_ =	shalt  }
0x43: {  	_ =	shalt  }
0x44: {  	_ =	shalt  }
0x45: {  	_ =	shalt  }
0x46: {  	_ =	shalt  }
0x47: {  	_ =	shalt  }
0x48: {  	_ =	shalt  }
0x49: {  	_ =	shalt  }
0x4a: {  	_ =	shalt  }
0x4b: {  	_ =	shalt  }
0x4c: {  	_ =	shalt  }
0x4d: {  	_ =	shalt  }
0x4e: {  	_ =	shalt  }
0x4f: {  	_ =	shalt  }
0x50: {  	_ =	shalt  }
0x51: {  	_ =	shalt  }
0x52: {  	_ =	shalt  }
0x53: {  	_ =	shalt  }
0x54: {  	_ =	shalt  }
0x55: {  	_ =	shalt  }
0x56: {  	_ =	shalt  }
0x57: {  	_ =	shalt  }
0x58: {  	_ =	shalt  }
0x59: {  	_ =	shalt  }
0x5a: {  	_ =	shalt  }
0x5b: {  	_ =	shalt  }
0x5c: {  	_ =	shalt  }
0x5d: {  	_ =	shalt  }
0x5e: {  	_ =	shalt  }
0x5f: {  	_ =	shalt  }
0x60: {  	_ =	shalt  }
0x61: {  	_ =	shalt  }
0x62: {  	_ =	shalt  }
0x63: {  	_ =	shalt  }
0x64: {  	_ =	shalt  }
0x65: {  	_ =	shalt  }
0x66: {  	_ =	shalt  }
0x67: {  	_ =	shalt  }
0x68: {  	_ =	shalt  }
0x69: {  	_ =	shalt  }
0x6a: {  	_ =	shalt  }
0x6b: {  	_ =	shalt  }
0x6c: {  	_ =	shalt  }
0x6d: {  	_ =	shalt  }
0x6e: {  	_ =	shalt  }
0x6f: {  	_ =	shalt  }
0x70: {  	_ =	shalt  }
0x71: {  	_ =	shalt  }
0x72: {  	_ =	shalt  }
0x73: {  	_ =	shalt  }
0x74: {  	_ =	shalt  }
0x75: {  	_ =	shalt  }
0x76: {  	_ =	shalt  }
0x77: {  	_ =	shalt  }
0x78: {  	_ =	shalt  }
0x79: {  	_ =	shalt  }
0x7a: {  	_ =	shalt  }
0x7b: {  	_ =	shalt  }
0x7c: {  	_ =	shalt  }
0x7d: {  	_ =	shalt  }
0x7e: {  	_ =	shalt  }
0x7f: {  	_ =	shalt  }
0x80: {  	_ =	shalt  }
0x81: {  	_ =	shalt  }
0x82: {  	_ =	shalt  }
0x83: {  	_ =	shalt  }
0x84: {  	_ =	shalt  }
0x85: {  	_ =	shalt  }
0x86: {  	_ =	shalt  }
0x87: {  	_ =	shalt  }
.Lfunc_end0:
.L_simem_size_0:
called_computation.1_lowered:
.L_overlay_start_0:
0x88: {  	s2 =	sld [smem:$0x3FD9]  }
0x89: {  	s3 =	sld [smem:$0x3FFE];
	_ =	sdelay $0x1  }
0x8a: {  	s1 =	srdreg.scid  }
0x8b: {  	s0 =	sand.u32 $0x1, s1  }
0x8c: {  	s17 =	sshll.u32 s0, $0xA;
	s2 =	sadd.s32 s3, s2  }
0x8d: {  	s2 =	sadd.s32 s2, s17  }
0x8e: {  	[smem:$0x3FC6] =	sst s2  }
0x8f: {  	_ = 	snop  }
0x90: {  	s2 =	sld [smem:$0x3FD0];
	(tm) =	ssettm $0x1  }
0x91: {  	s18 =	sld [smem:$0x3FFB];
	_ =	sdelay $0x3  }
0x92: {  	_ =	strace s18  }
0x93: {  	s3 =	sld [smem:$0x3FFC];
	_ =	sdelay $0x3  }
0x94: {  	_ =	strace s3  }
0x95: {  	s3 =	sld [smem:$0x3FFD];
	_ =	sdelay $0x3  }
0x96: {  	_ =	strace s3  }
0x97: {  	_ =	strace $0x8FFFFFFF  }
0x98: {  	s19 =	sld [smem:$0x3FDB];
	_ =	sdelay $0x1  }
0x99: {  	s4 =	simm.s32 $_scs_section_size  }
0x9a: {  	s5 =	simm.s32 $_size__tile_overlayer_lowered;
	s6 =	simm.s32 $_tile_overlayer_lowered  }
0x9b: {  	s22 =	simm.s32 $0x1BFF;
	s21 =	sshll.u32 s6, $0x1;
	s3 =	sadd.s32 s4, s19  }
0x9c: {  	s7 =	simm.s32 $0x0;
	s20 =	sshll.u32 s5, $0x1;
	s5 =	sadd.s32 s21, s3  }
0x9d: {  	[timem:s7], [sflag:s22] =	dma.local [hbm:s5], s20  }
0x9e: {  	_ =	swait.ge [sflag:s22], s20  }
0x9f: {  	s4 =	ssub.s32 $0x0, s20;
	[sflag:s22] =	ssyncset.done $0x0  }
0xa0: {  	[sflag:s22] =	ssyncadd.s32 s4;
	_ =	sdelay $0x1  }
0xa1: {  	s23 =	simm.s32 $0x1B8B  }
0xa2: {  	_ =	swait.ge [sflag:s23], $0x1  }
0xa3: {  	[sflag:s23] =	ssyncset.done $0x0  }
0xa4: {  	s25 =	simm.s32 $0x1B8E;
	s24 =	sld [smem:$0x3FFE];
	[sflag:s23] =	ssyncadd.s32 $0xFFFFFFFF  }
0xa5: {  	s26 =	simm.s32 $execute0_lowered;
	[smem:$0x3FD2] =	sst s25  }
0xa6: {  	s5 =	sshll.u32 s26, $0x1;
	_ =	strace $0x80000046;
	[dreg:$0x1] =	wrdreg $0xFFFFFFFF  }
0xa7: {  	s28 =	simm.s32 $_size_execute0_lowered;
	s3 =	sadd.s32 s3, s5;
	[dreg:$0x0] =	wrdreg $0x0  }
0xa8: {  	s5 =	sshll.u32 s28, $0x1;
	[dreg:$0x2] =	wrdreg s3  }
0xa9: {  	[dreg:$0x3] =	wrdreg s5  }
0xaa: {  	[dreg:$0x4] =	wrdreg $0xC0  }
0xab: {  	_ =	task [dreg:s7], $0x5FFFF  }
0xac: {  	[dreg:$0x1] =	wrdreg $0xFFFFFFFF  }
0xad: {  	[dreg:$0x0] =	wrdreg $0x60  }
0xae: {  	[dreg:$0x2] =	wrdreg s24  }
0xaf: {  	[dreg:$0x3] =	wrdreg s2  }
0xb0: {  	[dreg:$0x4] =	wrdreg $0x9  }
0xb1: {  	_ =	task.clear_ibuf [dreg:s7], $0x5FFFF;
	_ =	strace $0x90000046  }
0xb2: {  	s29 =	simm.s32 $0x9;
	_ =	strace $0x80000048  }
0xb3: {  	_ =	swait.ge [sflag:s29], $0x1  }
0xb4: {  	[sflag:s29] =	ssyncadd.s32 $0xFFFFFFFF  }
0xb5: {  	_ =	strace $0x90000048  }
0xb6: {  	_ =	sfence  }
0xb7: {  	s30 =	sld [smem:$0x0];
	_ =	sdelay $0x2  }
0xb8: {  	s31 =	sshll.u32 s1, $0xD;
	s1 =	sshrl.u32 s1, $0x2  }
0xb9: {  	s3 =	sand.u32 $0x4000, s31;
	s1 =	sadd.s32 s1, s30  }
0xba: {  	s0 =	sor.u32 s3, s0;
	s1 =	sshll.u32 s1, $0x11  }
0xbb: {  	s0 =	sor.u32 s1, s0  }
0xbc: {  	s0 =	sadd.s32 $0x8F2B, s0  }
0xbd: {  	[sflag:s0] =	ssyncadd.remote.s32 $0x1  }
0xbe: {  	_ =	sfence.sel $0xFFFF  }
0xbf: {  	[dreg:$0x0] =	wrdreg $0xFFFFFFFF;
	(pc) =	sbr.abs _section_cstart, $3  }
0xc0: {  	[dreg:$0x1] =	wrdreg $0xFFFFFFFF  }
0xc1: {  	_ =	task.clear_ibuf [dreg:s7], $0x2FFFF;
	_ =	strace $0x9FFFFFFF  }
0xc2: {  	(tm) =	ssettm $0x7FFFFFFF  }
0xc3: {  	_ =	shalt  }
tec
execute0_lowered:
.L_overlay_start_1:
0x0: {  	(tag) =	ssettag $0x1  }
0x1: {  	s0 =	srdreg.scid  }
0x2: {  	s2 =	stileid.u32;
	s1 =	rddreg [dreg:$0x0]  }
0x3: {  	s31 =	rddreg [dreg:$0x1];
	s0 =	sand.u32 $0x1, s0;
	s3 =	sshll.u32 s2, $0x1  }
0x4: {  	s13 =	simm.s32 $0x1;
	s5 =	sor.u32 s0, s3;
	s0 =	ssub.s32 $0x2, s0  }
0x5: {  	s3 =	simm.s32 $0x0;
	s4 =	smul.u32 $0xC80, s5;
	s7 =	sshrl.u32 s0, $0x1  }
0x6: {  	s15 =	simm.s32 $0x2;
	[smem:$0x7FF] =	sst s3;
	s0 =	ssub.s32 s0, s7  }
0x7: {  	s5 =	smul.u32 $0xC8, s5;
	s6 =	sadd.s32 s4, s1;
	s0 =	smax.u32 s0, $0x1  }
0x8: {  	_ =	strace $0x80000047;
	s30 =	sadd.s32 $0xA00, s6;
	[dreg:$0x4] =	wrdreg s0  }
0x9: {  	s4 =	sadd.s32 $0xF42E00, s1;
	s1 =	simm.s32 $0x0;
	[dreg:$0x3] =	wrdreg s30  }
.LBB2_1:
0xa: {  	[dreg:$0x5] =	wrdreg s1  }
0xb: {  	s0 =	rddreg [dreg:$0x3];
	s30 =	simm.s32 $0x3  }
0xc: {  	[tilespmem:s3], [sflag:$0x3] =	stream.linear.gather [hbm4b:s0+s3], $0x6400, $0x38;
	[tilespmem:$0x16800] =	vst v63  }
0xd: {  	_ =	swait.ge [sflag:s30], $0x6400  }
0xe: {  	[sflag:s30] =	ssyncset.done $0x0  }
0xf: {  	s1 =	simm.s32 $0x0;
	[sflag:s30] =	ssyncadd.s32 $0xFFFF9C00  }
0x10: {  	v1 =	vld [tilespmem:s1+$0x70]  }
0x11: {  	v4 =	vld [tilespmem:s1+$0x0]  }
0x12: {  	v5 =	vld [tilespmem:s1+$0x10]  }
0x13: {  	v3 =	vld [tilespmem:s1+$0x20]  }
0x14: {  	v2 =	vld [tilespmem:s1+$0x30]  }
0x15: {  	v0 =	vld [tilespmem:s1+$0x40];
	v6 =	vshrl.u32 v1, $0x2  }
0x16: {  	v1 =	vld [tilespmem:s1+$0x50];
	v4 =	vshrl.u32 v4, $0x2;
	[tilespmem:s1+$0x6470] =	vst v6  }
0x17: {  	s6 =	simm.s32 $0x400;
	s0 =	simm.s32 $0x80;
	v5 =	vshrl.u32 v5, $0x2;
	[tilespmem:s1+$0x6400] =	vst v4;
	v4 =	vld [tilespmem:s1+$0x60]  }
.LBB2_2:
0x18: {  	p0 =	sne.s32 s6, $0x18E00;
	v6 =	vld [tilespmem:s0+$0x70];
	[tilespmem:s1+$0x6410] =	vst v5;
	v3 =	vshrl.u32 v3, $0x2  }
0x19: {  	v5 =	vld [tilespmem:s0+$0x0];
	[tilespmem:s1+$0x6420] =	vst v3;
	v2 =	vshrl.u32 v2, $0x2  }
0x1a: {  	v7 =	vld [tilespmem:s0+$0x10];
	[tilespmem:s1+$0x6430] =	vst v2;
	v0 =	vshrl.u32 v0, $0x2  }
.Ltmp0:
0x1b: {  	v3 =	vld [tilespmem:s0+$0x20];
	[tilespmem:s1+$0x6440] =	vst v0;
	v0 =	vshrl.u32 v1, $0x2;
	(pc) =	sbr.rel @p0 .LBB2_2-.Ltmp0, $4  }
0x1c: {  	v2 =	vld [tilespmem:s0+$0x30];
	[tilespmem:s1+$0x6450] =	vst v0;
	v1 =	vshrl.u32 v4, $0x2  }
0x1d: {  	v0 =	vld [tilespmem:s0+$0x40];
	v4 =	vshrl.u32 v6, $0x2;
	[tilespmem:s1+$0x6460] =	vst v1;
	s1 =	smov.u32 s0  }
0x1e: {  	v5 =	vshrl.u32 v5, $0x2;
	v1 =	vld [tilespmem:s1+$0x50];
	[tilespmem:s1+$0x6470] =	vst v4  }
0x1f: {  	s0 =	sshra.s32 s6, $0x2;
	s6 =	sadd.s32 $0x200, s6;
	[tilespmem:s1+$0x6400] =	vst v5;
	v5 =	vshrl.u32 v7, $0x2;
	v4 =	vld [tilespmem:s1+$0x60]  }
0x20: {  	v6 =	vld [tilespmem:s0+$0x70];
	[tilespmem:s1+$0x6410] =	vst v5;
	v3 =	vshrl.u32 v3, $0x2  }
0x21: {  	v5 =	vld [tilespmem:s0+$0x0];
	[tilespmem:s1+$0x6420] =	vst v3;
	v2 =	vshrl.u32 v2, $0x2  }
0x22: {  	v3 =	vld [tilespmem:s0+$0x10];
	[tilespmem:s1+$0x6430] =	vst v2;
	v0 =	vshrl.u32 v0, $0x2  }
0x23: {  	v2 =	vld [tilespmem:s0+$0x20];
	[tilespmem:s1+$0x6440] =	vst v0;
	v51 =	vshrl.u32 v1, $0x2  }
0x24: {  	v52 =	vld [tilespmem:s0+$0x30];
	[tilespmem:s1+$0x6450] =	vst v51;
	v53 =	vshrl.u32 v4, $0x2  }
0x25: {  	v54 =	vld [tilespmem:s0+$0x40];
	[tilespmem:s1+$0x6460] =	vst v53;
	v55 =	vshrl.u32 v6, $0x2  }
0x26: {  	v56 =	vld [tilespmem:s0+$0x50];
	v5 =	vshrl.u32 v5, $0x2;
	[tilespmem:s0+$0x6470] =	vst v55  }
0x27: {  	v58 =	vld [tilespmem:s0+$0x60];
	[tilespmem:s0+$0x6400] =	vst v5;
	v57 =	vshrl.u32 v3, $0x2  }
0x28: {  	[tilespmem:s0+$0x6410] =	vst v57;
	v59 =	vshrl.u32 v2, $0x2  }
0x29: {  	[tilespmem:s0+$0x6420] =	vst v59;
	v60 =	vshrl.u32 v52, $0x2  }
0x2a: {  	[tilespmem:s0+$0x6430] =	vst v60;
	v61 =	vshrl.u32 v54, $0x2  }
0x2b: {  	[tilespmem:s0+$0x6440] =	vst v61;
	v62 =	vshrl.u32 v56, $0x2  }
0x2c: {  	s18 =	simm.s32 $0x80;
	s29 =	simm.s32 $0x6400;
	v63 =	vshrl.u32 v58, $0x2;
	[tilespmem:s0+$0x6450] =	vst v62  }
0x2d: {  	s30 =	simm.s32 $0xC800;
	s19 =	simm.s32 $0x0;
	s20 =	simm.s32 $0x0;
	[tilespmem:s0+$0x6460] =	vst v63  }
0x2e: {  	[tilespmem:s30], [sflag:$0x1] =	stream.indirect.gather [hbm4b:s4+s18], $0x80, s29, s18, $0xb8;
	[tilespmem:$0x16800] =	vst v63  }
.LBB2_4:
0x2f: {  	s22 =	sshll.u32 s20, $0x1;
	p0 =	seq.s32 s20, $0x0  }
0x30: {  	s0 =	simm.s32 @!p0 $0x2;
	s21 =	sor.u32 $0x1, s22  }
0x31: {  	_ =	swait.ge @!p0 [sflag:s0], $0x1000;
	s1 =	sshll.u32 s21, $0x7  }
0x32: {  	s6 =	simm.s32 $0x80;
	[sflag:s0] =	ssyncset.done @!p0 $0x0;
	s1 =	sand.u32 $0x3FFFFF80, s1  }
0x33: {  	s2 =	simm.s32 $0x10800;
	[sflag:s0] =	ssyncadd.s32 @!p0 $0xFFFFF000;
	s1 =	sadd.s32 $0x6400, s1  }
0x34: {  	[tilespmem:s2], [sflag:$0x1] =	stream.indirect.gather [hbm4b:s4+s6], $0x80, s1, s6, $0xb8;
	[tilespmem:$0x16800] =	vst v63  }
0x35: {  	_ =	swait.ge [sflag:s13], $0x4000  }
0x36: {  	[sflag:s13] =	ssyncset.done $0x0  }
0x37: {  	[sflag:s13] =	ssyncadd.s32 $0xFFFFC000  }
0x38: {  	v0 =	vld [tilespmem:s19+$0x0];
	_ =	sdelay $0x4  }
0x39: {  	(v2sf) =	vpush v0, $0x0;
	_ =	sdelay $0xb  }
0x3a: {  	(v2sf) =	vpush v0, $0x1;
	_ =	sdelay $0x2  }
0x3b: {  	s7 =	spop (v2sf)  }
0x3c: {  	s0 =	sand.u32 $0x3, s7  }
0x3d: {  	s0 =	sshll.u32 s0, $0x5  }
0x3e: {  	s0 =	sadd.s32 $0x0, s0  }
0x3f: {  	v1 =	vld [tilespmem:s0+$0xC800];
	_ =	sdelay $0x3  }
0x40: {  	s23 =	simm.s32 $0x14900  }
0x41: {  	(v2sf) =	vpush v0, $0x2;
	[tilespmem:s23+$0xFFFFFF00] =	vst v1  }
0x42: {  	v1 =	vld [tilespmem:s0+$0xC810];
	_ =	sdelay $0x1  }
0x43: {  	s8 =	spop (v2sf)  }
0x44: {  	s0 =	sand.u32 $0x3, s8  }
0x45: {  	s0 =	sshll.u32 s0, $0x5  }
0x46: {  	s0 =	sadd.s32 $0x0, s0;
	[tilespmem:s23+$0xFFFFFF10] =	vst v1  }
0x47: {  	v1 =	vld [tilespmem:s0+$0xC880];
	_ =	sdelay $0x4  }
0x48: {  	(v2sf) =	vpush v0, $0x3;
	[tilespmem:s23+$0xFFFFFF20] =	vst v1  }
0x49: {  	v1 =	vld [tilespmem:s0+$0xC890];
	_ =	sdelay $0x1  }
0x4a: {  	s9 =	spop (v2sf)  }
0x4b: {  	s0 =	sand.u32 $0x3, s9  }
0x4c: {  	s0 =	sshll.u32 s0, $0x5  }
0x4d: {  	s0 =	sadd.s32 $0x0, s0;
	[tilespmem:s23+$0xFFFFFF30] =	vst v1  }
0x4e: {  	v1 =	vld [tilespmem:s0+$0xC900];
	_ =	sdelay $0x4  }
0x4f: {  	(v2sf) =	vpush v0, $0x4;
	[tilespmem:s23+$0xFFFFFF40] =	vst v1  }
0x50: {  	v1 =	vld [tilespmem:s0+$0xC910];
	_ =	sdelay $0x1  }
0x51: {  	s10 =	spop (v2sf)  }
0x52: {  	s0 =	sand.u32 $0x3, s10  }
0x53: {  	s0 =	sshll.u32 s0, $0x5  }
0x54: {  	s0 =	sadd.s32 $0x0, s0;
	[tilespmem:s23+$0xFFFFFF50] =	vst v1  }
0x55: {  	v1 =	vld [tilespmem:s0+$0xC980];
	_ =	sdelay $0x4  }
0x56: {  	(v2sf) =	vpush v0, $0x5;
	[tilespmem:s23+$0xFFFFFF60] =	vst v1  }
0x57: {  	v1 =	vld [tilespmem:s0+$0xC990];
	_ =	sdelay $0x1  }
0x58: {  	s11 =	spop (v2sf)  }
0x59: {  	s0 =	sand.u32 $0x3, s11  }
0x5a: {  	s0 =	sshll.u32 s0, $0x5  }
0x5b: {  	s0 =	sadd.s32 $0x0, s0;
	[tilespmem:s23+$0xFFFFFF70] =	vst v1  }
0x5c: {  	v1 =	vld [tilespmem:s0+$0xCA00];
	_ =	sdelay $0x4  }
0x5d: {  	(v2sf) =	vpush v0, $0x6;
	[tilespmem:s23+$0xFFFFFF80] =	vst v1  }
0x5e: {  	v1 =	vld [tilespmem:s0+$0xCA10];
	_ =	sdelay $0x1  }
0x5f: {  	s12 =	spop (v2sf)  }
0x60: {  	s0 =	sand.u32 $0x3, s12  }
0x61: {  	s0 =	sshll.u32 s0, $0x5  }
0x62: {  	s0 =	sadd.s32 $0x0, s0;
	[tilespmem:s23+$0xFFFFFF90] =	vst v1  }
0x63: {  	v1 =	vld [tilespmem:s0+$0xCA80];
	_ =	sdelay $0x4  }
0x64: {  	(v2sf) =	vpush v0, $0x7;
	[tilespmem:s23+$0xFFFFFFA0] =	vst v1  }
0x65: {  	v1 =	vld [tilespmem:s0+$0xCA90];
	_ =	sdelay $0x1  }
0x66: {  	s14 =	spop (v2sf)  }
0x67: {  	s0 =	sand.u32 $0x3, s14  }
0x68: {  	s0 =	sshll.u32 s0, $0x5  }
0x69: {  	s0 =	sadd.s32 $0x0, s0;
	[tilespmem:s23+$0xFFFFFFB0] =	vst v1  }
0x6a: {  	v1 =	vld [tilespmem:s0+$0xCB00];
	_ =	sdelay $0x4  }
0x6b: {  	(v2sf) =	vpush v0, $0x8;
	[tilespmem:s23+$0xFFFFFFC0] =	vst v1  }
0x6c: {  	v1 =	vld [tilespmem:s0+$0xCB10];
	_ =	sdelay $0x1  }
0x6d: {  	s16 =	spop (v2sf)  }
0x6e: {  	s0 =	sand.u32 $0x3, s16  }
0x6f: {  	s0 =	sshll.u32 s0, $0x5  }
0x70: {  	s0 =	sadd.s32 $0x0, s0;
	[tilespmem:s23+$0xFFFFFFD0] =	vst v1  }
0x71: {  	v1 =	vld [tilespmem:s0+$0xCB80];
	_ =	sdelay $0x4  }
0x72: {  	(v2sf) =	vpush v0, $0x9;
	[tilespmem:s23+$0xFFFFFFE0] =	vst v1  }
0x73: {  	v1 =	vld [tilespmem:s0+$0xCB90];
	_ =	sdelay $0x1  }
0x74: {  	s17 =	spop (v2sf)  }
0x75: {  	s0 =	sand.u32 $0x3, s17  }
0x76: {  	s0 =	sshll.u32 s0, $0x5  }
0x77: {  	s0 =	sadd.s32 $0x0, s0;
	[tilespmem:s23+$0xFFFFFFF0] =	vst v1  }
0x78: {  	v1 =	vld [tilespmem:s0+$0xCC00];
	_ =	sdelay $0x4  }
0x79: {  	(v2sf) =	vpush v0, $0xA;
	[tilespmem:s23+$0x0] =	vst v1  }
0x7a: {  	v1 =	vld [tilespmem:s0+$0xCC10];
	_ =	sdelay $0x1  }
0x7b: {  	s24 =	spop (v2sf)  }
0x7c: {  	s0 =	sand.u32 $0x3, s24  }
0x7d: {  	s0 =	sshll.u32 s0, $0x5  }
0x7e: {  	s0 =	sadd.s32 $0x0, s0;
	[tilespmem:s23+$0x10] =	vst v1  }
0x7f: {  	v1 =	vld [tilespmem:s0+$0xCC80];
	_ =	sdelay $0x4  }
0x80: {  	(v2sf) =	vpush v0, $0xB;
	[tilespmem:s23+$0x20] =	vst v1  }
0x81: {  	v1 =	vld [tilespmem:s0+$0xCC90];
	_ =	sdelay $0x1  }
0x82: {  	s25 =	spop (v2sf)  }
0x83: {  	s0 =	sand.u32 $0x3, s25  }
0x84: {  	s0 =	sshll.u32 s0, $0x5  }
0x85: {  	s0 =	sadd.s32 $0x0, s0;
	[tilespmem:s23+$0x30] =	vst v1  }
0x86: {  	v1 =	vld [tilespmem:s0+$0xCD00];
	_ =	sdelay $0x4  }
0x87: {  	(v2sf) =	vpush v0, $0xC;
	[tilespmem:s23+$0x40] =	vst v1  }
0x88: {  	v1 =	vld [tilespmem:s0+$0xCD10];
	_ =	sdelay $0x1  }
0x89: {  	s26 =	spop (v2sf)  }
0x8a: {  	s0 =	sand.u32 $0x3, s26  }
0x8b: {  	s0 =	sshll.u32 s0, $0x5  }
0x8c: {  	s0 =	sadd.s32 $0x0, s0;
	[tilespmem:s23+$0x50] =	vst v1  }
0x8d: {  	v1 =	vld [tilespmem:s0+$0xCD80];
	_ =	sdelay $0x4  }
0x8e: {  	(v2sf) =	vpush v0, $0xD;
	[tilespmem:s23+$0x60] =	vst v1  }
0x8f: {  	v1 =	vld [tilespmem:s0+$0xCD90];
	_ =	sdelay $0x1  }
0x90: {  	s28 =	spop (v2sf)  }
0x91: {  	s0 =	sand.u32 $0x3, s28  }
0x92: {  	s0 =	sshll.u32 s0, $0x5  }
0x93: {  	s0 =	sadd.s32 $0x0, s0;
	[tilespmem:s23+$0x70] =	vst v1  }
0x94: {  	v1 =	vld [tilespmem:s0+$0xCE00];
	_ =	sdelay $0x4  }
0x95: {  	(v2sf) =	vpush v0, $0xE;
	[tilespmem:s23+$0x80] =	vst v1  }
0x96: {  	v1 =	vld [tilespmem:s0+$0xCE10];
	_ =	sdelay $0x1  }
0x97: {  	s29 =	spop (v2sf)  }
0x98: {  	s0 =	sand.u32 $0x3, s29  }
0x99: {  	s0 =	sshll.u32 s0, $0x5  }
0x9a: {  	s0 =	sadd.s32 $0x0, s0;
	[tilespmem:s23+$0x90] =	vst v1  }
0x9b: {  	v1 =	vld [tilespmem:s0+$0xCE80];
	_ =	sdelay $0x4  }
0x9c: {  	(v2sf) =	vpush v0, $0xF;
	[tilespmem:s23+$0xA0] =	vst v1  }
0x9d: {  	v0 =	vld [tilespmem:s0+$0xCE90];
	_ =	sdelay $0x1  }
0x9e: {  	s30 =	spop (v2sf)  }
0x9f: {  	s0 =	sand.u32 $0x3, s30  }
0xa0: {  	s0 =	sshll.u32 s0, $0x5  }
0xa1: {  	s0 =	sadd.s32 $0x0, s0;
	[tilespmem:s23+$0xB0] =	vst v0  }
0xa2: {  	v0 =	vld [tilespmem:s0+$0xCF00];
	_ =	sdelay $0x4  }
0xa3: {  	[tilespmem:s23+$0xC0] =	vst v0  }
0xa4: {  	v0 =	vld [tilespmem:s0+$0xCF10];
	_ =	sdelay $0x1  }
0xa5: {  	s3 =	smov.u32 s31;
	s31 =	spop (v2sf)  }
0xa6: {  	s0 =	sand.u32 $0x3, s31  }
0xa7: {  	s0 =	sshll.u32 s0, $0x5  }
0xa8: {  	s0 =	sadd.s32 $0x0, s0;
	[tilespmem:s23+$0xD0] =	vst v0  }
0xa9: {  	v0 =	vld [tilespmem:s0+$0xCF80];
	_ =	sdelay $0x4  }
0xaa: {  	[tilespmem:s23+$0xE0] =	vst v0  }
0xab: {  	s24 =	sshll.u32 s20, $0xA;
	s25 =	simm.s32 $0x2000;
	s26 =	smov.u32 s19;
	v0 =	vld [tilespmem:s0+$0xCF90]  }
.LBB2_5:
0xac: {  	_ =	sdelay $0x3  }
0xad: {  	p0 =	sne.s32 s25, $0xE000;
	s26 =	sadd.s32 $0x10, s26;
	[tilespmem:s23+$0xF0] =	vst v0;
	s23 =	sadd.s32 $0x200, s23  }
0xae: {  	s0 =	smov.u32 s25;
	s25 =	sadd.s32 $0x2000, s25;
	v0 =	vld [tilespmem:s26+$0x0];
	_ =	sdelay $0x4  }
0xaf: {  	(v2sf) =	vpush v0, $0x0  }
0xb0: {  	(v2sf) =	vpush v0, $0x1;
	_ =	sdelay $0x1  }
0xb1: {  	(v2sf) =	vpush v0, $0x2  }
0xb2: {  	(v2sf) =	vpush v0, $0x3  }
0xb3: {  	(v2sf) =	vpush v0, $0x4  }
0xb4: {  	(v2sf) =	vpush v0, $0x5  }
0xb5: {  	(v2sf) =	vpush v0, $0x6  }
0xb6: {  	(v2sf) =	vpush v0, $0x7  }
0xb7: {  	(v2sf) =	vpush v0, $0x8  }
0xb8: {  	(v2sf) =	vpush v0, $0x9  }
0xb9: {  	(v2sf) =	vpush v0, $0xA  }
0xba: {  	(v2sf) =	vpush v0, $0xB  }
0xbb: {  	(v2sf) =	vpush v0, $0xC  }
0xbc: {  	(v2sf) =	vpush v0, $0xD  }
0xbd: {  	s1 =	spop (v2sf)  }
0xbe: {  	s1 =	sand.u32 $0x3, s1;
	s6 =	spop (v2sf);
	(v2sf) =	vpush v0, $0xE  }
0xbf: {  	s28 =	sshra.s32 s0, $0x2;
	s1 =	sshll.u32 s1, $0x5;
	s0 =	sand.u32 $0x3, s6;
	(v2sf) =	vpush v0, $0xF  }
0xc0: {  	s1 =	sadd.s32 s28, s1;
	s29 =	sshll.u32 s0, $0x5;
	s0 =	spop (v2sf)  }
0xc1: {  	v0 =	vld [tilespmem:s1+$0xC800];
	s0 =	sand.u32 $0x3, s0;
	s6 =	spop (v2sf)  }
0xc2: {  	s14 =	sshll.u32 s0, $0x5;
	s0 =	sand.u32 $0x3, s6;
	s6 =	spop (v2sf)  }
0xc3: {  	s12 =	sshll.u32 s0, $0x5;
	s0 =	sand.u32 $0x3, s6;
	s6 =	spop (v2sf)  }
0xc4: {  	s11 =	sshll.u32 s0, $0x5;
	s0 =	sand.u32 $0x3, s6;
	s6 =	spop (v2sf)  }
0xc5: {  	s17 =	sshll.u32 s0, $0x5;
	s0 =	sand.u32 $0x3, s6;
	s6 =	spop (v2sf)  }
0xc6: {  	[tilespmem:s23+$0xFFFFFF00] =	vst v0;
	s8 =	sshll.u32 s0, $0x5;
	s0 =	sand.u32 $0x3, s6;
	s6 =	spop (v2sf)  }
0xc7: {  	v0 =	vld [tilespmem:s1+$0xC810];
	s7 =	sshll.u32 s0, $0x5;
	s0 =	sand.u32 $0x3, s6;
	s1 =	spop (v2sf)  }
0xc8: {  	s6 =	sshll.u32 s0, $0x5;
	s0 =	sand.u32 $0x3, s1;
	s1 =	spop (v2sf)  }
0xc9: {  	s10 =	sshll.u32 s0, $0x5;
	s0 =	sand.u32 $0x3, s1;
	s1 =	spop (v2sf)  }
0xca: {  	s9 =	sshll.u32 s0, $0x5;
	s0 =	sand.u32 $0x3, s1;
	s1 =	spop (v2sf)  }
0xcb: {  	s0 =	sshll.u32 s0, $0x5;
	s1 =	sand.u32 $0x3, s1;
	s30 =	spop (v2sf)  }
0xcc: {  	s16 =	sadd.s32 s28, s29;
	[tilespmem:s23+$0xFFFFFF10] =	vst v0;
	s1 =	sshll.u32 s1, $0x5;
	s29 =	sand.u32 $0x3, s30  }
0xcd: {  	v0 =	vld [tilespmem:s16+$0xC880];
	s31 =	sshll.u32 s29, $0x5;
	s29 =	spop (v2sf)  }
0xce: {  	s29 =	sand.u32 $0x3, s29;
	s2 =	spop (v2sf)  }
0xcf: {  	s30 =	sshll.u32 s29, $0x5;
	s2 =	sand.u32 $0x3, s2  }
0xd0: {  	s29 =	sshll.u32 s2, $0x5;
	_ =	sdelay $0x1  }
0xd1: {  	[tilespmem:s23+$0xFFFFFF20] =	vst v0  }
0xd2: {  	v0 =	vld [tilespmem:s16+$0xC890];
	_ =	sdelay $0x4  }
0xd3: {  	s2 =	sadd.s32 s28, s14;
	[tilespmem:s23+$0xFFFFFF30] =	vst v0  }
0xd4: {  	v0 =	vld [tilespmem:s2+$0xC900];
	_ =	sdelay $0x4  }
0xd5: {  	[tilespmem:s23+$0xFFFFFF40] =	vst v0  }
0xd6: {  	v0 =	vld [tilespmem:s2+$0xC910];
	_ =	sdelay $0x4  }
0xd7: {  	s2 =	sadd.s32 s28, s12;
	[tilespmem:s23+$0xFFFFFF50] =	vst v0  }
0xd8: {  	v0 =	vld [tilespmem:s2+$0xC980];
	_ =	sdelay $0x4  }
0xd9: {  	[tilespmem:s23+$0xFFFFFF60] =	vst v0  }
0xda: {  	v0 =	vld [tilespmem:s2+$0xC990];
	_ =	sdelay $0x4  }
0xdb: {  	s2 =	sadd.s32 s28, s11;
	[tilespmem:s23+$0xFFFFFF70] =	vst v0  }
0xdc: {  	v0 =	vld [tilespmem:s2+$0xCA00];
	_ =	sdelay $0x4  }
0xdd: {  	[tilespmem:s23+$0xFFFFFF80] =	vst v0  }
0xde: {  	v0 =	vld [tilespmem:s2+$0xCA10];
	_ =	sdelay $0x4  }
0xdf: {  	s2 =	sadd.s32 s28, s17;
	[tilespmem:s23+$0xFFFFFF90] =	vst v0  }
0xe0: {  	v0 =	vld [tilespmem:s2+$0xCA80];
	_ =	sdelay $0x4  }
0xe1: {  	[tilespmem:s23+$0xFFFFFFA0] =	vst v0  }
0xe2: {  	v0 =	vld [tilespmem:s2+$0xCA90];
	_ =	sdelay $0x4  }
0xe3: {  	s2 =	sadd.s32 s28, s8;
	[tilespmem:s23+$0xFFFFFFB0] =	vst v0  }
0xe4: {  	v0 =	vld [tilespmem:s2+$0xCB00];
	_ =	sdelay $0x4  }
0xe5: {  	[tilespmem:s23+$0xFFFFFFC0] =	vst v0  }
0xe6: {  	v0 =	vld [tilespmem:s2+$0xCB10];
	_ =	sdelay $0x4  }
0xe7: {  	s2 =	sadd.s32 s28, s7;
	[tilespmem:s23+$0xFFFFFFD0] =	vst v0  }
0xe8: {  	v0 =	vld [tilespmem:s2+$0xCB80];
	_ =	sdelay $0x4  }
0xe9: {  	[tilespmem:s23+$0xFFFFFFE0] =	vst v0  }
0xea: {  	v0 =	vld [tilespmem:s2+$0xCB90];
	_ =	sdelay $0x4  }
0xeb: {  	s2 =	sadd.s32 s28, s6;
	[tilespmem:s23+$0xFFFFFFF0] =	vst v0  }
0xec: {  	v0 =	vld [tilespmem:s2+$0xCC00];
	_ =	sdelay $0x4  }
0xed: {  	[tilespmem:s23+$0x0] =	vst v0  }
0xee: {  	v0 =	vld [tilespmem:s2+$0xCC10];
	_ =	sdelay $0x4  }
0xef: {  	s2 =	sadd.s32 s28, s10;
	[tilespmem:s23+$0x10] =	vst v0  }
0xf0: {  	v0 =	vld [tilespmem:s2+$0xCC80];
	_ =	sdelay $0x4  }
0xf1: {  	[tilespmem:s23+$0x20] =	vst v0  }
0xf2: {  	v0 =	vld [tilespmem:s2+$0xCC90];
	_ =	sdelay $0x4  }
0xf3: {  	s2 =	sadd.s32 s28, s9;
	[tilespmem:s23+$0x30] =	vst v0  }
0xf4: {  	v0 =	vld [tilespmem:s2+$0xCD00];
	_ =	sdelay $0x4  }
0xf5: {  	[tilespmem:s23+$0x40] =	vst v0  }
0xf6: {  	v0 =	vld [tilespmem:s2+$0xCD10];
	_ =	sdelay $0x4  }
0xf7: {  	s0 =	sadd.s32 s28, s0;
	[tilespmem:s23+$0x50] =	vst v0  }
0xf8: {  	v0 =	vld [tilespmem:s0+$0xCD80];
	_ =	sdelay $0x4  }
0xf9: {  	[tilespmem:s23+$0x60] =	vst v0  }
0xfa: {  	v0 =	vld [tilespmem:s0+$0xCD90];
	_ =	sdelay $0x4  }
0xfb: {  	s0 =	sadd.s32 s28, s1;
	[tilespmem:s23+$0x70] =	vst v0  }
0xfc: {  	v0 =	vld [tilespmem:s0+$0xCE00];
	_ =	sdelay $0x4  }
0xfd: {  	[tilespmem:s23+$0x80] =	vst v0  }
0xfe: {  	v0 =	vld [tilespmem:s0+$0xCE10];
	_ =	sdelay $0x4  }
0xff: {  	s0 =	sadd.s32 s28, s31;
	[tilespmem:s23+$0x90] =	vst v0  }
0x100: {  	v0 =	vld [tilespmem:s0+$0xCE80];
	_ =	sdelay $0x4  }
0x101: {  	[tilespmem:s23+$0xA0] =	vst v0  }
0x102: {  	v0 =	vld [tilespmem:s0+$0xCE90];
	_ =	sdelay $0x4  }
0x103: {  	s0 =	sadd.s32 s28, s30;
	[tilespmem:s23+$0xB0] =	vst v0  }
0x104: {  	v0 =	vld [tilespmem:s0+$0xCF00];
	_ =	sdelay $0x4  }
0x105: {  	[tilespmem:s23+$0xC0] =	vst v0  }
0x106: {  	v0 =	vld [tilespmem:s0+$0xCF10];
	_ =	sdelay $0x4  }
0x107: {  	s0 =	sadd.s32 s28, s29;
	[tilespmem:s23+$0xD0] =	vst v0  }
0x108: {  	v0 =	vld [tilespmem:s0+$0xCF80];
	_ =	sdelay $0x1  }
.Ltmp1:
0x109: {  	(pc) =	sbr.rel @p0 .LBB2_5-.Ltmp1, $3  }
0x10a: {  	_ =	sdelay $0x1  }
0x10b: {  	[tilespmem:s23+$0xE0] =	vst v0  }
0x10c: {  	v0 =	vld [tilespmem:s0+$0xCF90]  }
0x10d: {  	_ =	sdelay $0x1  }
0x10e: {  	s0 =	sadd.s32 s5, s22  }
0x10f: {  	s31 =	smov.u32 s3;
	s0 =	sshll.u32 s0, $0x9  }
0x110: {  	s1 =	simm.s32 $0x14800;
	s0 =	sadd.s32 s3, s0;
	s3 =	simm.s32 $0x0;
	[tilespmem:s23+$0xF0] =	vst v0  }
0x111: {  	[hbm4b:s0+s3] =	stream.linear.scatter [tilespmem:s1], [sflag:$0x2], $0x1000, $0x38;
	[tilespmem:$0x16800] =	vst v63  }
0x112: {  	p0 =	seq.s32 s20, $0x63;
	_ =	swait.ge [sflag:s15], $0x1000  }
0x113: {  	s2 =	simm.s32 @!p0 $0xC800;
	s0 =	sshrl.u32 @!p0 s24, $0x2;
	[sflag:s15] =	ssyncset.done $0x0  }
0x114: {  	s1 =	simm.s32 @!p0 $0x80;
	s0 =	sadd.s32 @!p0 $0x6500, s0;
	[sflag:s15] =	ssyncadd.s32 $0xFFFFF000  }
0x115: {  	[tilespmem:s2], [sflag:$0x1] =	stream.indirect.gather @!p0 [hbm4b:s4+s1], $0x80, s0, s1, $0xb8;
	[tilespmem:$0x16800] =	vst v63  }
0x116: {  	_ =	swait.ge [sflag:s13], $0x4000  }
0x117: {  	[sflag:s13] =	ssyncset.done $0x0  }
0x118: {  	[sflag:s13] =	ssyncadd.s32 $0xFFFFC000  }
0x119: {  	v0 =	vld [tilespmem:s18+$0x0];
	_ =	sdelay $0x4  }
0x11a: {  	(v2sf) =	vpush v0, $0x0;
	_ =	sdelay $0xa  }
0x11b: {  	(v2sf) =	vpush v0, $0x1;
	_ =	sdelay $0x3  }
0x11c: {  	s7 =	spop (v2sf)  }
0x11d: {  	s0 =	sand.u32 $0x3, s7  }
0x11e: {  	s0 =	sshll.u32 s0, $0x5  }
0x11f: {  	s0 =	sadd.s32 $0x0, s0  }
0x120: {  	v1 =	vld [tilespmem:s0+$0x10800];
	_ =	sdelay $0x3  }
0x121: {  	s22 =	simm.s32 $0x15900;
	(v2sf) =	vpush v0, $0x2  }
0x122: {  	s0 =	sadd.s32 $0x10800, s0;
	[tilespmem:s22+$0xFFFFFF00] =	vst v1  }
0x123: {  	v1 =	vld [tilespmem:s0+$0x10]  }
0x124: {  	s8 =	spop (v2sf)  }
0x125: {  	s0 =	sand.u32 $0x3, s8  }
0x126: {  	s0 =	sshll.u32 s0, $0x5  }
0x127: {  	s0 =	sadd.s32 $0x0, s0  }
0x128: {  	s0 =	sadd.s32 $0x10800, s0;
	[tilespmem:s22+$0xFFFFFF10] =	vst v1  }
0x129: {  	v1 =	vld [tilespmem:s0+$0x80];
	_ =	sdelay $0x3  }
0x12a: {  	(v2sf) =	vpush v0, $0x3  }
0x12b: {  	[tilespmem:s22+$0xFFFFFF20] =	vst v1  }
0x12c: {  	v1 =	vld [tilespmem:s0+$0x90]  }
0x12d: {  	s9 =	spop (v2sf)  }
0x12e: {  	s0 =	sand.u32 $0x3, s9  }
0x12f: {  	s0 =	sshll.u32 s0, $0x5  }
0x130: {  	s0 =	sadd.s32 $0x0, s0  }
0x131: {  	s0 =	sadd.s32 $0x10800, s0;
	[tilespmem:s22+$0xFFFFFF30] =	vst v1  }
0x132: {  	v1 =	vld [tilespmem:s0+$0x100];
	_ =	sdelay $0x3  }
0x133: {  	(v2sf) =	vpush v0, $0x4  }
0x134: {  	[tilespmem:s22+$0xFFFFFF40] =	vst v1  }
0x135: {  	v1 =	vld [tilespmem:s0+$0x110]  }
0x136: {  	s10 =	spop (v2sf)  }
0x137: {  	s0 =	sand.u32 $0x3, s10  }
0x138: {  	s0 =	sshll.u32 s0, $0x5  }
0x139: {  	s0 =	sadd.s32 $0x0, s0  }
0x13a: {  	s0 =	sadd.s32 $0x10800, s0;
	[tilespmem:s22+$0xFFFFFF50] =	vst v1  }
0x13b: {  	v1 =	vld [tilespmem:s0+$0x180];
	_ =	sdelay $0x3  }
0x13c: {  	(v2sf) =	vpush v0, $0x5  }
0x13d: {  	[tilespmem:s22+$0xFFFFFF60] =	vst v1  }
0x13e: {  	v1 =	vld [tilespmem:s0+$0x190]  }
0x13f: {  	s11 =	spop (v2sf)  }
0x140: {  	s0 =	sand.u32 $0x3, s11  }
0x141: {  	s0 =	sshll.u32 s0, $0x5  }
0x142: {  	s0 =	sadd.s32 $0x0, s0  }
0x143: {  	s0 =	sadd.s32 $0x10800, s0;
	[tilespmem:s22+$0xFFFFFF70] =	vst v1  }
0x144: {  	v1 =	vld [tilespmem:s0+$0x200];
	_ =	sdelay $0x3  }
0x145: {  	(v2sf) =	vpush v0, $0x6  }
0x146: {  	[tilespmem:s22+$0xFFFFFF80] =	vst v1  }
0x147: {  	v1 =	vld [tilespmem:s0+$0x210]  }
0x148: {  	s12 =	spop (v2sf)  }
0x149: {  	s0 =	sand.u32 $0x3, s12  }
0x14a: {  	s0 =	sshll.u32 s0, $0x5  }
0x14b: {  	s0 =	sadd.s32 $0x0, s0  }
0x14c: {  	s0 =	sadd.s32 $0x10800, s0;
	[tilespmem:s22+$0xFFFFFF90] =	vst v1  }
0x14d: {  	v1 =	vld [tilespmem:s0+$0x280];
	_ =	sdelay $0x3  }
0x14e: {  	(v2sf) =	vpush v0, $0x7  }
0x14f: {  	[tilespmem:s22+$0xFFFFFFA0] =	vst v1  }
0x150: {  	v1 =	vld [tilespmem:s0+$0x290]  }
0x151: {  	s14 =	spop (v2sf)  }
0x152: {  	s0 =	sand.u32 $0x3, s14  }
0x153: {  	s0 =	sshll.u32 s0, $0x5  }
0x154: {  	s0 =	sadd.s32 $0x0, s0  }
0x155: {  	s0 =	sadd.s32 $0x10800, s0;
	[tilespmem:s22+$0xFFFFFFB0] =	vst v1  }
0x156: {  	v1 =	vld [tilespmem:s0+$0x300];
	_ =	sdelay $0x3  }
0x157: {  	(v2sf) =	vpush v0, $0x8  }
0x158: {  	[tilespmem:s22+$0xFFFFFFC0] =	vst v1  }
0x159: {  	v1 =	vld [tilespmem:s0+$0x310]  }
0x15a: {  	s16 =	spop (v2sf)  }
0x15b: {  	s0 =	sand.u32 $0x3, s16  }
0x15c: {  	s0 =	sshll.u32 s0, $0x5  }
0x15d: {  	s0 =	sadd.s32 $0x0, s0  }
0x15e: {  	s0 =	sadd.s32 $0x10800, s0;
	[tilespmem:s22+$0xFFFFFFD0] =	vst v1  }
0x15f: {  	v1 =	vld [tilespmem:s0+$0x380];
	_ =	sdelay $0x3  }
0x160: {  	(v2sf) =	vpush v0, $0x9  }
0x161: {  	[tilespmem:s22+$0xFFFFFFE0] =	vst v1  }
0x162: {  	v1 =	vld [tilespmem:s0+$0x390]  }
0x163: {  	s17 =	spop (v2sf)  }
0x164: {  	s0 =	sand.u32 $0x3, s17  }
0x165: {  	s0 =	sshll.u32 s0, $0x5  }
0x166: {  	s0 =	sadd.s32 $0x0, s0  }
0x167: {  	s0 =	sadd.s32 $0x10800, s0;
	[tilespmem:s22+$0xFFFFFFF0] =	vst v1  }
0x168: {  	v1 =	vld [tilespmem:s0+$0x400];
	_ =	sdelay $0x3  }
0x169: {  	(v2sf) =	vpush v0, $0xA  }
0x16a: {  	[tilespmem:s22+$0x0] =	vst v1  }
0x16b: {  	v1 =	vld [tilespmem:s0+$0x410]  }
0x16c: {  	s23 =	spop (v2sf)  }
0x16d: {  	s0 =	sand.u32 $0x3, s23  }
0x16e: {  	s0 =	sshll.u32 s0, $0x5  }
0x16f: {  	s0 =	sadd.s32 $0x0, s0  }
0x170: {  	s0 =	sadd.s32 $0x10800, s0;
	[tilespmem:s22+$0x10] =	vst v1  }
0x171: {  	v1 =	vld [tilespmem:s0+$0x480];
	_ =	sdelay $0x3  }
0x172: {  	(v2sf) =	vpush v0, $0xB  }
0x173: {  	[tilespmem:s22+$0x20] =	vst v1  }
0x174: {  	v1 =	vld [tilespmem:s0+$0x490]  }
0x175: {  	s24 =	spop (v2sf)  }
0x176: {  	s0 =	sand.u32 $0x3, s24  }
0x177: {  	s0 =	sshll.u32 s0, $0x5  }
0x178: {  	s0 =	sadd.s32 $0x0, s0  }
0x179: {  	s0 =	sadd.s32 $0x10800, s0;
	[tilespmem:s22+$0x30] =	vst v1  }
0x17a: {  	v1 =	vld [tilespmem:s0+$0x500];
	_ =	sdelay $0x3  }
0x17b: {  	(v2sf) =	vpush v0, $0xC  }
0x17c: {  	[tilespmem:s22+$0x40] =	vst v1  }
0x17d: {  	v1 =	vld [tilespmem:s0+$0x510]  }
0x17e: {  	s25 =	spop (v2sf)  }
0x17f: {  	s0 =	sand.u32 $0x3, s25  }
0x180: {  	s0 =	sshll.u32 s0, $0x5  }
0x181: {  	s0 =	sadd.s32 $0x0, s0  }
0x182: {  	s0 =	sadd.s32 $0x10800, s0;
	[tilespmem:s22+$0x50] =	vst v1  }
0x183: {  	v1 =	vld [tilespmem:s0+$0x580];
	_ =	sdelay $0x3  }
0x184: {  	(v2sf) =	vpush v0, $0xD  }
0x185: {  	[tilespmem:s22+$0x60] =	vst v1  }
0x186: {  	v1 =	vld [tilespmem:s0+$0x590]  }
0x187: {  	s26 =	spop (v2sf)  }
0x188: {  	s0 =	sand.u32 $0x3, s26  }
0x189: {  	s0 =	sshll.u32 s0, $0x5  }
0x18a: {  	s0 =	sadd.s32 $0x0, s0  }
0x18b: {  	s0 =	sadd.s32 $0x10800, s0;
	[tilespmem:s22+$0x70] =	vst v1  }
0x18c: {  	v1 =	vld [tilespmem:s0+$0x600];
	_ =	sdelay $0x3  }
0x18d: {  	(v2sf) =	vpush v0, $0xE  }
0x18e: {  	[tilespmem:s22+$0x80] =	vst v1  }
0x18f: {  	v1 =	vld [tilespmem:s0+$0x610]  }
0x190: {  	s28 =	spop (v2sf)  }
0x191: {  	s0 =	sand.u32 $0x3, s28  }
0x192: {  	s0 =	sshll.u32 s0, $0x5  }
0x193: {  	s0 =	sadd.s32 $0x0, s0  }
0x194: {  	s0 =	sadd.s32 $0x10800, s0;
	[tilespmem:s22+$0x90] =	vst v1  }
0x195: {  	v1 =	vld [tilespmem:s0+$0x680];
	_ =	sdelay $0x3  }
0x196: {  	(v2sf) =	vpush v0, $0xF  }
0x197: {  	[tilespmem:s22+$0xA0] =	vst v1  }
0x198: {  	v0 =	vld [tilespmem:s0+$0x690]  }
0x199: {  	s29 =	spop (v2sf)  }
0x19a: {  	s0 =	sand.u32 $0x3, s29  }
0x19b: {  	s0 =	sshll.u32 s0, $0x5  }
0x19c: {  	s0 =	sadd.s32 $0x0, s0  }
0x19d: {  	s0 =	sadd.s32 $0x10800, s0;
	[tilespmem:s22+$0xB0] =	vst v0  }
0x19e: {  	v0 =	vld [tilespmem:s0+$0x700];
	_ =	sdelay $0x4  }
0x19f: {  	[tilespmem:s22+$0xC0] =	vst v0  }
0x1a0: {  	v0 =	vld [tilespmem:s0+$0x710]  }
0x1a1: {  	s30 =	spop (v2sf)  }
0x1a2: {  	s0 =	sand.u32 $0x3, s30  }
0x1a3: {  	s0 =	sshll.u32 s0, $0x5  }
0x1a4: {  	s0 =	sadd.s32 $0x0, s0  }
0x1a5: {  	s0 =	sadd.s32 $0x10800, s0;
	[tilespmem:s22+$0xD0] =	vst v0  }
0x1a6: {  	v0 =	vld [tilespmem:s0+$0x780];
	_ =	sdelay $0x4  }
0x1a7: {  	[tilespmem:s22+$0xE0] =	vst v0  }
0x1a8: {  	s23 =	simm.s32 $0x2000;
	s24 =	smov.u32 s18;
	v0 =	vld [tilespmem:s0+$0x790]  }
.LBB2_7:
0x1a9: {  	_ =	sdelay $0x3  }
0x1aa: {  	p0 =	sne.s32 s23, $0xE000;
	s24 =	sadd.s32 $0x10, s24;
	[tilespmem:s22+$0xF0] =	vst v0;
	s22 =	sadd.s32 $0x200, s22  }
0x1ab: {  	s0 =	smov.u32 s23;
	s23 =	sadd.s32 $0x2000, s23;
	v0 =	vld [tilespmem:s24+$0x0];
	_ =	sdelay $0x4  }
0x1ac: {  	(v2sf) =	vpush v0, $0x0  }
0x1ad: {  	(v2sf) =	vpush v0, $0x1;
	_ =	sdelay $0x1  }
0x1ae: {  	(v2sf) =	vpush v0, $0x2  }
0x1af: {  	(v2sf) =	vpush v0, $0x3  }
0x1b0: {  	(v2sf) =	vpush v0, $0x4;
	_ =	sdelay $0x1  }
0x1b1: {  	(v2sf) =	vpush v0, $0x5  }
0x1b2: {  	(v2sf) =	vpush v0, $0x6;
	_ =	sdelay $0x1  }
0x1b3: {  	(v2sf) =	vpush v0, $0x7  }
0x1b4: {  	(v2sf) =	vpush v0, $0x8  }
0x1b5: {  	(v2sf) =	vpush v0, $0x9;
	_ =	sdelay $0x1  }
0x1b6: {  	(v2sf) =	vpush v0, $0xA  }
0x1b7: {  	s1 =	spop (v2sf)  }
0x1b8: {  	s1 =	sand.u32 $0x3, s1;
	s2 =	spop (v2sf);
	(v2sf) =	vpush v0, $0xB  }
0x1b9: {  	s11 =	sshra.s32 s0, $0x2;
	s1 =	sshll.u32 s1, $0x5;
	s0 =	sand.u32 $0x3, s2;
	(v2sf) =	vpush v0, $0xC  }
0x1ba: {  	s1 =	sadd.s32 s11, s1;
	s0 =	sshll.u32 s0, $0x5;
	s2 =	spop (v2sf);
	(v2sf) =	vpush v0, $0xD  }
0x1bb: {  	v1 =	vld [tilespmem:s1+$0x10800];
	s0 =	sadd.s32 s11, s0;
	s2 =	sand.u32 $0x3, s2;
	s6 =	spop (v2sf)  }
0x1bc: {  	s2 =	sshll.u32 s2, $0x5;
	s6 =	sand.u32 $0x3, s6;
	s7 =	spop (v2sf);
	(v2sf) =	vpush v0, $0xE  }
0x1bd: {  	s12 =	sadd.s32 s11, s2;
	s2 =	sshll.u32 s6, $0x5;
	s6 =	sand.u32 $0x3, s7;
	(v2sf) =	vpush v0, $0xF  }
0x1be: {  	s30 =	sadd.s32 s11, s2;
	s2 =	sshll.u32 s6, $0x5;
	s6 =	spop (v2sf)  }
0x1bf: {  	s17 =	sadd.s32 s11, s2;
	s2 =	sand.u32 $0x3, s6;
	s6 =	spop (v2sf)  }
0x1c0: {  	s1 =	sadd.s32 $0x10800, s1;
	[tilespmem:s22+$0xFFFFFF00] =	vst v1;
	s2 =	sshll.u32 s2, $0x5;
	s6 =	sand.u32 $0x3, s6  }
0x1c1: {  	v0 =	vld [tilespmem:s1+$0x10];
	s8 =	sadd.s32 s11, s2;
	s1 =	sshll.u32 s6, $0x5;
	s2 =	spop (v2sf)  }
0x1c2: {  	s7 =	sadd.s32 s11, s1;
	s1 =	sand.u32 $0x3, s2;
	s2 =	spop (v2sf)  }
0x1c3: {  	s1 =	sshll.u32 s1, $0x5;
	s2 =	sand.u32 $0x3, s2;
	s9 =	spop (v2sf)  }
0x1c4: {  	s6 =	sadd.s32 s11, s1;
	s1 =	sshll.u32 s2, $0x5;
	s2 =	sand.u32 $0x3, s9  }
0x1c5: {  	s10 =	sadd.s32 s11, s1;
	s1 =	sshll.u32 s2, $0x5;
	s2 =	spop (v2sf)  }
0x1c6: {  	s14 =	sadd.s32 $0x10800, s0;
	[tilespmem:s22+$0xFFFFFF10] =	vst v0;
	s29 =	sadd.s32 s11, s1;
	s0 =	sand.u32 $0x3, s2  }
0x1c7: {  	v0 =	vld [tilespmem:s14+$0x80];
	s0 =	sshll.u32 s0, $0x5;
	s1 =	spop (v2sf)  }
0x1c8: {  	s9 =	sadd.s32 s11, s0;
	s0 =	sand.u32 $0x3, s1;
	s1 =	spop (v2sf)  }
0x1c9: {  	s0 =	sshll.u32 s0, $0x5;
	s1 =	sand.u32 $0x3, s1;
	s2 =	spop (v2sf)  }
0x1ca: {  	s0 =	sadd.s32 s11, s0;
	s1 =	sshll.u32 s1, $0x5;
	s2 =	sand.u32 $0x3, s2  }
0x1cb: {  	s1 =	sadd.s32 s11, s1;
	s2 =	sshll.u32 s2, $0x5;
	s16 =	spop (v2sf)  }
0x1cc: {  	[tilespmem:s22+$0xFFFFFF20] =	vst v0;
	s28 =	sadd.s32 s11, s2;
	s2 =	sand.u32 $0x3, s16;
	s16 =	spop (v2sf)  }
0x1cd: {  	v0 =	vld [tilespmem:s14+$0x90];
	s2 =	sshll.u32 s2, $0x5;
	s14 =	sand.u32 $0x3, s16  }
0x1ce: {  	s26 =	sadd.s32 s11, s2;
	s2 =	sshll.u32 s14, $0x5  }
0x1cf: {  	s25 =	sadd.s32 s11, s2;
	_ =	sdelay $0x2  }
0x1d0: {  	s2 =	sadd.s32 $0x10800, s12;
	[tilespmem:s22+$0xFFFFFF30] =	vst v0  }
0x1d1: {  	v0 =	vld [tilespmem:s2+$0x100];
	_ =	sdelay $0x4  }
0x1d2: {  	[tilespmem:s22+$0xFFFFFF40] =	vst v0  }
0x1d3: {  	v0 =	vld [tilespmem:s2+$0x110];
	_ =	sdelay $0x4  }
0x1d4: {  	s2 =	sadd.s32 $0x10800, s30;
	[tilespmem:s22+$0xFFFFFF50] =	vst v0  }
0x1d5: {  	v0 =	vld [tilespmem:s2+$0x180];
	_ =	sdelay $0x4  }
0x1d6: {  	[tilespmem:s22+$0xFFFFFF60] =	vst v0  }
0x1d7: {  	v0 =	vld [tilespmem:s2+$0x190];
	_ =	sdelay $0x4  }
0x1d8: {  	s2 =	sadd.s32 $0x10800, s17;
	[tilespmem:s22+$0xFFFFFF70] =	vst v0  }
0x1d9: {  	v0 =	vld [tilespmem:s2+$0x200];
	_ =	sdelay $0x4  }
0x1da: {  	[tilespmem:s22+$0xFFFFFF80] =	vst v0  }
0x1db: {  	v0 =	vld [tilespmem:s2+$0x210];
	_ =	sdelay $0x4  }
0x1dc: {  	s2 =	sadd.s32 $0x10800, s8;
	[tilespmem:s22+$0xFFFFFF90] =	vst v0  }
0x1dd: {  	v0 =	vld [tilespmem:s2+$0x280];
	_ =	sdelay $0x4  }
0x1de: {  	[tilespmem:s22+$0xFFFFFFA0] =	vst v0  }
0x1df: {  	v0 =	vld [tilespmem:s2+$0x290];
	_ =	sdelay $0x4  }
0x1e0: {  	s2 =	sadd.s32 $0x10800, s7;
	[tilespmem:s22+$0xFFFFFFB0] =	vst v0  }
0x1e1: {  	v0 =	vld [tilespmem:s2+$0x300];
	_ =	sdelay $0x4  }
0x1e2: {  	[tilespmem:s22+$0xFFFFFFC0] =	vst v0  }
0x1e3: {  	v0 =	vld [tilespmem:s2+$0x310];
	_ =	sdelay $0x4  }
0x1e4: {  	s2 =	sadd.s32 $0x10800, s6;
	[tilespmem:s22+$0xFFFFFFD0] =	vst v0  }
0x1e5: {  	v0 =	vld [tilespmem:s2+$0x380];
	_ =	sdelay $0x4  }
0x1e6: {  	[tilespmem:s22+$0xFFFFFFE0] =	vst v0  }
0x1e7: {  	v0 =	vld [tilespmem:s2+$0x390];
	_ =	sdelay $0x4  }
0x1e8: {  	s2 =	sadd.s32 $0x10800, s10;
	[tilespmem:s22+$0xFFFFFFF0] =	vst v0  }
0x1e9: {  	v0 =	vld [tilespmem:s2+$0x400];
	_ =	sdelay $0x4  }
0x1ea: {  	[tilespmem:s22+$0x0] =	vst v0  }
0x1eb: {  	v0 =	vld [tilespmem:s2+$0x410];
	_ =	sdelay $0x4  }
0x1ec: {  	s2 =	sadd.s32 $0x10800, s29;
	[tilespmem:s22+$0x10] =	vst v0  }
0x1ed: {  	v0 =	vld [tilespmem:s2+$0x480];
	_ =	sdelay $0x4  }
0x1ee: {  	[tilespmem:s22+$0x20] =	vst v0  }
0x1ef: {  	v0 =	vld [tilespmem:s2+$0x490];
	_ =	sdelay $0x4  }
0x1f0: {  	s2 =	sadd.s32 $0x10800, s9;
	[tilespmem:s22+$0x30] =	vst v0  }
0x1f1: {  	v0 =	vld [tilespmem:s2+$0x500];
	_ =	sdelay $0x4  }
0x1f2: {  	[tilespmem:s22+$0x40] =	vst v0  }
0x1f3: {  	v0 =	vld [tilespmem:s2+$0x510];
	_ =	sdelay $0x4  }
0x1f4: {  	s0 =	sadd.s32 $0x10800, s0;
	[tilespmem:s22+$0x50] =	vst v0  }
0x1f5: {  	v0 =	vld [tilespmem:s0+$0x580];
	_ =	sdelay $0x4  }
0x1f6: {  	[tilespmem:s22+$0x60] =	vst v0  }
0x1f7: {  	v0 =	vld [tilespmem:s0+$0x590];
	_ =	sdelay $0x4  }
0x1f8: {  	s0 =	sadd.s32 $0x10800, s1;
	[tilespmem:s22+$0x70] =	vst v0  }
0x1f9: {  	v0 =	vld [tilespmem:s0+$0x600];
	_ =	sdelay $0x4  }
0x1fa: {  	[tilespmem:s22+$0x80] =	vst v0  }
0x1fb: {  	v0 =	vld [tilespmem:s0+$0x610];
	_ =	sdelay $0x4  }
0x1fc: {  	s0 =	sadd.s32 $0x10800, s28;
	[tilespmem:s22+$0x90] =	vst v0  }
0x1fd: {  	v0 =	vld [tilespmem:s0+$0x680];
	_ =	sdelay $0x4  }
0x1fe: {  	[tilespmem:s22+$0xA0] =	vst v0  }
0x1ff: {  	v0 =	vld [tilespmem:s0+$0x690];
	_ =	sdelay $0x4  }
0x200: {  	s0 =	sadd.s32 $0x10800, s26;
	[tilespmem:s22+$0xB0] =	vst v0  }
0x201: {  	v0 =	vld [tilespmem:s0+$0x700];
	_ =	sdelay $0x4  }
0x202: {  	[tilespmem:s22+$0xC0] =	vst v0  }
0x203: {  	v0 =	vld [tilespmem:s0+$0x710];
	_ =	sdelay $0x4  }
0x204: {  	s0 =	sadd.s32 $0x10800, s25;
	[tilespmem:s22+$0xD0] =	vst v0  }
0x205: {  	v0 =	vld [tilespmem:s0+$0x780];
	_ =	sdelay $0x1  }
.Ltmp2:
0x206: {  	(pc) =	sbr.rel @p0 .LBB2_7-.Ltmp2, $3  }
0x207: {  	_ =	sdelay $0x1  }
0x208: {  	[tilespmem:s22+$0xE0] =	vst v0  }
0x209: {  	v0 =	vld [tilespmem:s0+$0x790]  }
0x20a: {  	s20 =	sadd.s32 $0x1, s20  }
0x20b: {  	p0 =	sne.s32 s20, $0x64  }
.Ltmp3:
0x20c: {  	s0 =	sadd.s32 s5, s21;
	(pc) =	sbr.rel @p0 .LBB2_4-.Ltmp3, $4  }
0x20d: {  	s0 =	sshll.u32 s0, $0x9  }
0x20e: {  	s1 =	simm.s32 $0x15800;
	s0 =	sand.u32 $0x1FFFFE00, s0  }
0x20f: {  	s19 =	sadd.s32 $0x100, s19;
	s18 =	sadd.s32 $0x100, s18;
	s0 =	sadd.s32 s31, s0;
	[tilespmem:s22+$0xF0] =	vst v0  }
0x210: {  	[hbm4b:s0+s3] =	stream.linear.scatter [tilespmem:s1], [sflag:$0x2], $0x1000, $0x38;
	[tilespmem:$0x16800] =	vst v63  }
0x211: {  	_ =	swait.ge [sflag:s15], $0x1000  }
0x212: {  	s1 =	rddreg [dreg:$0x5]  }
0x213: {  	s0 =	rddreg [dreg:$0x4];
	s1 =	sadd.s32 $0x1, s1  }
0x214: {  	p0 =	sne.s32 s1, s0  }
.Ltmp4:
0x215: {  	_ = 	snop;
	(pc) =	sbr.rel @p0 .LBB2_1-.Ltmp4, $3  }
0x216: {  	_ =	sdelay $0x1  }
0x217: {  	[sflag:s15] =	ssyncset.done $0x0  }
0x218: {  	[sflag:s15] =	ssyncadd.s32 $0xFFFFF000  }
0x219: {  	_ =	sfence.sel $0x180000  }
0x21a: {  	[bflag:$0x0] =	sbarrier.arrive $0xFFFF  }
0x21b: {  	_ =	strace $0x90000047  }
0x21c: {  	s0 =	stileid.u32;
	[bflag:$0x2] =	sbarrier.arrive $0xFFFF  }
0x21d: {  	p0 =	sne.s32 s0, $0x0;
	s0 =	rddreg [dreg:$0x2]  }
0x21e: {  	s0 =	sadd.s32 @!p0 $0x100000, s0  }
0x21f: {  	[sflag:s0] =	ssyncadd.tile.s32 @!p0 $0x1;
	_ =	shalt  }
.Lfunc_end2:
_tile_overlayer_lowered:
.L_overlay_start_2:
0x220: {  	(tag) =	ssettag $0x2  }
0x221: {  	s0 =	rddreg [dreg:$0x0];
	s2 =	stileid.u32  }
0x222: {  	s1 =	rddreg [dreg:$0x1];
	p0 =	sne.s32 s2, $0x0  }
0x223: {  	s3 =	rddreg [dreg:$0x2];
	[bflag:$0x3] =	sbarrier.arrive $0xFFFF;
	s2 =	simm.s32 @!p0 $0x1C03  }
0x224: {  	[timem:s3], [sflag:s2] =	dma.local @!p0 [hbm:s0], s1  }
0x225: {  	s0 =	simm.s32 @!p0 $0x3  }
0x226: {  	_ =	swait.ge @!p0 [sflag:s0], s1  }
0x227: {  	s1 =	ssub.s32 @!p0 $0x0, s1;
	[sflag:s0] =	ssyncset.done @!p0 $0x0  }
0x228: {  	[sflag:s0] =	ssyncadd.s32 @!p0 s1  }
0x229: {  	[bflag:$0x3] =	sbarrier.arrive $0xFFFF  }
0x22a: {  	_ =	shalt  }

// kernel: sparse-core-data-format-call.cloned.1.call-start
scs
called_computation_lowered:
.L_overlay_start_0:
0x0: {  	s2 =	sld [smem:$0x3FD9]  }
0x1: {  	s3 =	sld [smem:$0x3FFE];
	_ =	sdelay $0x1  }
0x2: {  	s1 =	srdreg.scid  }
0x3: {  	s0 =	sand.u32 $0x1, s1  }
0x4: {  	s18 =	sshll.u32 s0, $0xA;
	s2 =	sadd.s32 s3, s2  }
0x5: {  	s2 =	sadd.s32 s2, s18  }
0x6: {  	[smem:$0x3FC6] =	sst s2  }
0x7: {  	_ = 	snop  }
0x8: {  	s2 =	sld [smem:$0x3FD0];
	(tm) =	ssettm $0x1  }
0x9: {  	s19 =	sld [smem:$0x3FFB];
	_ =	sdelay $0x3  }
0xa: {  	_ =	strace s19  }
0xb: {  	s3 =	sld [smem:$0x3FFC];
	_ =	sdelay $0x3  }
0xc: {  	_ =	strace s3  }
0xd: {  	s3 =	sld [smem:$0x3FFD];
	_ =	sdelay $0x3  }
0xe: {  	_ =	strace s3  }
0xf: {  	_ =	strace $0x8FFFFFFF  }
0x10: {  	s20 =	sld [smem:$0x3FDB];
	_ =	sdelay $0x1  }
0x11: {  	s4 =	simm.s32 $_scs_section_size  }
0x12: {  	s5 =	simm.s32 $_size__tile_overlayer_lowered;
	s6 =	simm.s32 $_tile_overlayer_lowered  }
0x13: {  	s23 =	simm.s32 $0x1BFF;
	s22 =	sshll.u32 s6, $0x1;
	s3 =	sadd.s32 s4, s20  }
0x14: {  	s7 =	simm.s32 $0x0;
	s21 =	sshll.u32 s5, $0x1;
	s5 =	sadd.s32 s22, s3  }
0x15: {  	[timem:s7], [sflag:s23] =	dma.local [hbm:s5], s21  }
0x16: {  	_ =	swait.ge [sflag:s23], s21  }
0x17: {  	s4 =	ssub.s32 $0x0, s21;
	[sflag:s23] =	ssyncset.done $0x0  }
0x18: {  	[sflag:s23] =	ssyncadd.s32 s4;
	_ =	sdelay $0x1  }
0x19: {  	s24 =	simm.s32 $0x1B8B  }
0x1a: {  	_ =	swait.ge [sflag:s24], $0x1  }
0x1b: {  	[sflag:s24] =	ssyncset.done $0x0  }
0x1c: {  	s26 =	simm.s32 $0x1B8E;
	s25 =	sld [smem:$0x3FFE];
	[sflag:s24] =	ssyncadd.s32 $0xFFFFFFFF  }
0x1d: {  	s27 =	simm.s32 $execute0_lowered;
	[smem:$0x3FD2] =	sst s26  }
0x1e: {  	s5 =	sshll.u32 s27, $0x1;
	_ =	strace $0x80000049;
	[dreg:$0x1] =	wrdreg $0xFFFFFFFF  }
0x1f: {  	s28 =	simm.s32 $_size_execute0_lowered;
	s3 =	sadd.s32 s3, s5;
	[dreg:$0x0] =	wrdreg $0x0  }
0x20: {  	s5 =	sshll.u32 s28, $0x1;
	[dreg:$0x2] =	wrdreg s3  }
0x21: {  	[dreg:$0x3] =	wrdreg s5  }
0x22: {  	[dreg:$0x4] =	wrdreg $0xC0  }
0x23: {  	_ =	task [dreg:s7], $0x5FFFF  }
0x24: {  	[dreg:$0x1] =	wrdreg $0xFFFFFFFF  }
0x25: {  	[dreg:$0x0] =	wrdreg $0x60  }
0x26: {  	[dreg:$0x2] =	wrdreg s25  }
0x27: {  	[dreg:$0x3] =	wrdreg s2  }
0x28: {  	[dreg:$0x4] =	wrdreg $0x9  }
0x29: {  	_ =	task.clear_ibuf [dreg:s7], $0x5FFFF;
	_ =	strace $0x90000049  }
0x2a: {  	s29 =	simm.s32 $0x9;
	_ =	strace $0x8000004B  }
0x2b: {  	_ =	swait.ge [sflag:s29], $0x1  }
0x2c: {  	[sflag:s29] =	ssyncadd.s32 $0xFFFFFFFF  }
0x2d: {  	_ =	strace $0x9000004B  }
0x2e: {  	_ =	sfence  }
0x2f: {  	s30 =	sld [smem:$0x0];
	_ =	sdelay $0x2  }
0x30: {  	s31 =	sshll.u32 s1, $0xD;
	s1 =	sshrl.u32 s1, $0x2  }
0x31: {  	s3 =	sand.u32 $0x4000, s31;
	s1 =	sadd.s32 s1, s30  }
0x32: {  	s0 =	sor.u32 s3, s0;
	s1 =	sshll.u32 s1, $0x11  }
0x33: {  	s0 =	sor.u32 s1, s0  }
0x34: {  	s0 =	sadd.s32 $0x8F2B, s0  }
0x35: {  	[sflag:s0] =	ssyncadd.remote.s32 $0x1  }
0x36: {  	_ =	sfence.sel $0xFFFF  }
0x37: {  	[dreg:$0x0] =	wrdreg $0xFFFFFFFF;
	(pc) =	sbr.abs _section_cstart, $3  }
0x38: {  	[dreg:$0x1] =	wrdreg $0xFFFFFFFF  }
0x39: {  	_ =	task.clear_ibuf [dreg:s7], $0x2FFFF;
	_ =	strace $0x9FFFFFFF  }
0x3a: {  	(tm) =	ssettm $0x7FFFFFFF  }
0x3b: {  	_ =	shalt  }
tec
execute0_lowered:
.L_overlay_start_1:
0x0: {  	(tag) =	ssettag $0x1  }
0x1: {  	s0 =	srdreg.scid  }
0x2: {  	s1 =	sshll.u32 s0, $0x4  }
0x3: {  	s0 =	stileid.u32;
	s1 =	sand.u32 $0x10, s1  }
0x4: {  	s1 =	sor.u32 s0, s1  }
0x5: {  	s6 =	rddreg [dreg:$0x0];
	s4 =	simm.s32 $0x1;
	s2 =	sshll.u32 s1, $0x7  }
0x6: {  	s7 =	simm.s32 $0x2;
	s12 =	simm.s32 $0x0;
	s1 =	ssub.s32 $0x4000, s2  }
0x7: {  	s8 =	simm.s32 $0x20000;
	s13 =	simm.s32 $0x0;
	s3 =	sand.u32 $0xF80, s1  }
0x8: {  	s9 =	simm.s32 $0x0;
	s5 =	sshrl.u32 s1, $0xC;
	p0 =	sne.s32 s3, $0x0  }
.Ltmp0:
0x9: {  	s1 =	rddreg [dreg:$0x2];
	s4 =	simm.s32 @!p0 $0x0;
	(pc) =	sbr.rel .LBB1_1-.Ltmp0, $4  }
0xa: {  	s11 =	simm.s32 $0x0;
	s3 =	rddreg [dreg:$0x1];
	s5 =	sadd.s32 s4, s5  }
0xb: {  	_ =	strace $0x8000004A;
	s4 =	simm.s32 $0x1;
	s5 =	smul.u32 $0x32, s5  }
0xc: {  	s6 =	sadd.s32 $0xA00, s6;
	s10 =	smov.u32 s2;
	[sflag:s4] =	ssyncpa.u1 $0x0  }
0xd: {  	p0 =	por $0x0, $0x0;
	[sflag:s7] =	ssyncpa.u1 $0x0;
	s7 =	sor.u32 $0x1, s5  }
.LBB1_4:
0xe: {  	s16 =	sshll.u32 s13, $0x3;
	s17 =	sand.u32 $0x78, s13  }
0xf: {  	s30 =	sand.u32 $0xF800, s13;
	s12 =	sshll.u32 s12, $0x10;
	s16 =	sand.u32 $0x3C00, s16  }
0x10: {  	s31 =	sand.u32 $0x7, s13;
	s16 =	sor.u32 s17, s16;
	s17 =	sadd.s32 s3, s30  }
0x11: {  	s13 =	sshll.u32 s31, $0x12;
	s16 =	sshrl.u32 s16, $0x3;
	s12 =	sadd.s32 s12, s17  }
0x12: {  	[tilespmem:s15+$0x0 ss:$0x81] =	vst.msk $0xffff, v0;
	s13 =	sor.u32 $0x400, s13;
	s12 =	sadd.s32 s16, s12  }
0x13: {  	[hbm4b:s12+s13] =	stream.strided.scatter [tilespmem:s14], [sflag:$0x2], $0x1000, s8, s13, $0x20;
	[tilespmem:$0x4040] =	vst v63  }
.LBB1_5:
0x14: {  	s14 =	sadd.s32 $0x1, s9  }
0x15: {  	s12 =	sadd.s32 $0x1000, s10;
	s16 =	smov.u32 s10;
	p2 =	sgt.s32 s14, $0x31  }
0x16: {  	s16 =	smov.u32 @p2 s12  }
0x17: {  	s14 =	simm.s32 @p2 $0x0;
	p2 =	sgt.s32 s16, $0x3FFF  }
0x18: {  	s16 =	smov.u32 @p2 s2;
	p2 =	sne.s32 s11, s7  }
.Ltmp1:
0x19: {  	p1 =	slt.u32 s11, $0x2;
	(pc) =	sbr.rel @!p2 .LBB1_6-.Ltmp1, $4  }
0x1a: {  	s15 =	simm.s32 @!p1 $0x2  }
0x1b: {  	s13 =	smov.u32 s10;
	p0 =	por !p0, !p0;
	_ =	swait.ge @!p1 [sflag:s15], $0x1000  }
0x1c: {  	s12 =	smov.u32 s9;
	[sflag:s15] =	ssyncset.done @!p1 $0x0;
	s9 =	smov.u32 s14  }
0x1d: {  	s11 =	sadd.s32 $0x1, s11;
	[sflag:s15] =	ssyncadd.s32 @!p1 $0xFFFFF000;
	s10 =	smov.u32 s16  }
.LBB1_1:
0x1e: {  	p1 =	sge.u32 s11, s5  }
0x1f: {  	s14 =	sand.u32 @!p1 $0x1FFFFFF, s9  }
0x20: {  	s15 =	smulhi.u32 @!p1 $0x4924925, s14;
	_ =	sdelay $0x1  }
0x21: {  	s15 =	smul.u32 @!p1 $0x38, s15  }
0x22: {  	s16 =	sxor.u32 @!p1 $0xFFFFFFFF, s11;
	s17 =	smul.u32 @!p1 $0x380, s10  }
0x23: {  	s31 =	sadd.s32 $0xFFFFFFFF, s11;
	s16 =	sshll.u32 @!p1 s16, $0xC;
	s14 =	ssub.s32 @!p1 s14, s15  }
0x24: {  	s15 =	sand.u32 @!p1 $0x1000, s16;
	s16 =	sadd.s32 @!p1 s6, s17;
	s14 =	sshll.u32 @!p1 s14, $0x4  }
0x25: {  	s17 =	simm.s32 @!p1 $0x1C00;
	s14 =	sadd.s32 @!p1 s14, s16;
	s16 =	simm.s32 @!p1 $0x20  }
0x26: {  	[tilespmem:s15], [sflag:$0x1] =	stream.strided.gather @!p1 [hbm4b:s14+s16], $0x1000, s17, s16, $0x38;
	[tilespmem:$0x4040] =	vst v63  }
0x27: {  	p1 =	sge.u32 s31, s5  }
.Ltmp2:
0x28: {  	_ = 	snop;
	(pc) =	sbr.rel @p1 .LBB1_5-.Ltmp2, $1  }
0x29: {  	_ =	sdelay $0x3  }
0x2a: {  	s14 =	simm.s32 $0x1  }
0x2b: {  	_ =	swait.ge [sflag:s4], $0x1000;
	s14 =	simm.s32 @!p0 $0x0  }
0x2c: {  	[sflag:s4] =	ssyncset.done $0x0;
	s15 =	sshll.u32 s14, $0xC  }
0x2d: {  	[sflag:s4] =	ssyncadd.s32 $0xFFFFF000;
	s18 =	sor.u32 $0x10, s15  }
0x2e: {  	s14 =	smul.u32 $0x4080, s14;
	v1 =	vld [tilespmem:s18+$0x0]  }
0x2f: {  	s30 =	sand.u32 $0x1, s11;
	v0 =	vld [tilespmem:s18+$0xFFFFFFF0]  }
0x30: {  	s15 =	smul.u32 $0x4080, s30;
	s14 =	sshrl.u32 s14, $0x2  }
0x31: {  	s16 =	sor.u32 $0x2000, s14  }
0x32: {  	s31 =	sshrl.u32 s15, $0x2;
	s15 =	sadd.s32 $0x0, s16  }
0x33: {  	s17 =	simm.s32 $0x4;
	s18 =	sadd.s32 $0x20, s18;
	s14 =	sor.u32 $0x2000, s31;
	[tilespmem:s15+$0x810 ss:$0x81] =	vst.msk $0xffff, v1  }
.LBB1_3:
0x34: {  	v1 =	vld [tilespmem:s18+$0x0];
	p1 =	sne.s32 s17, $0x1FC;
	[tilespmem:s15+$0x0 ss:$0x81] =	vst.msk $0xffff, v0;
	s15 =	smov.u32 s17;
	s17 =	sadd.s32 $0x4, s17  }
.Ltmp3:
0x35: {  	v0 =	vld [tilespmem:s18+$0xFFFFFFF0];
	(pc) =	sbr.rel @p1 .LBB1_3-.Ltmp3, $4  }
0x36: {  	_ = 	snop  }
0x37: {  	s15 =	sshra.s32 s15, $0x2  }
0x38: {  	s15 =	sadd.s32 s15, s16  }
0x39: {  	s18 =	sadd.s32 $0x20, s18;
	[tilespmem:s15+$0x810 ss:$0x81] =	vst.msk $0xffff, v1  }
.Ltmp4:
0x3a: {  	_ = 	snop;
	(pc) =	sbr.rel .LBB1_4-.Ltmp4, $1  }
0x3b: {  	_ =	sdelay $0x3  }
.LBB1_6:
0x3c: {  	_ =	sfence.sel $0x180000  }
0x3d: {  	s2 =	simm.s32 $0x1;
	[bflag:$0x0] =	sbarrier.arrive $0xFFFF  }
0x3e: {  	s31 =	simm.s32 $0x2;
	[sflag:s2] =	ssyncpa.u1 $0x1  }
0x3f: {  	[sflag:s31] =	ssyncpa.u1 $0x1  }
0x40: {  	p0 =	sne.s32 s0, $0x0;
	_ =	strace $0x9000004A  }
0x41: {  	s0 =	sadd.s32 @!p0 $0x100000, s1;
	[bflag:$0x2] =	sbarrier.arrive $0xFFFF  }
0x42: {  	[sflag:s0] =	ssyncadd.tile.s32 @!p0 $0x1;
	_ =	shalt  }
.Lfunc_end1:
_tile_overlayer_lowered:
.L_overlay_start_2:
0x43: {  	(tag) =	ssettag $0x2  }
0x44: {  	s0 =	rddreg [dreg:$0x0];
	s2 =	stileid.u32  }
0x45: {  	s1 =	rddreg [dreg:$0x1];
	p0 =	sne.s32 s2, $0x0  }
0x46: {  	s3 =	rddreg [dreg:$0x2];
	[bflag:$0x3] =	sbarrier.arrive $0xFFFF;
	s2 =	simm.s32 @!p0 $0x1C01  }
0x47: {  	[timem:s3], [sflag:s2] =	dma.local @!p0 [hbm:s0], s1  }
0x48: {  	s0 =	simm.s32 @!p0 $0x1  }
0x49: {  	_ =	swait.ge @!p0 [sflag:s0], s1  }
0x4a: {  	s1 =	ssub.s32 @!p0 $0x0, s1;
	[sflag:s0] =	ssyncset.done @!p0 $0x0  }
0x4b: {  	[sflag:s0] =	ssyncadd.s32 @!p0 s1  }
0x4c: {  	[bflag:$0x3] =	sbarrier.arrive $0xFFFF  }
0x4d: {  	_ =	shalt  }

</sc_bundles>
